<compile_context>
chip_gen: v7x
topology: tpu7x:2x2x1
jax: 0.10.2.dev20260603
libtpu: 0.0.44.dev20260713+nightly
codegen_flags: <defaults>
</compile_context>

<pallas_src>
import functools

import jax
import jax.numpy as jnp
from jax import lax
from jax.experimental import pallas as pl
from jax.experimental.pallas import tpu as pltpu
from jax.experimental.pallas import tpu_sc as plsc

_PIVOT = 500000
_D = 64
_L = 16
_NW = 32
_N = 16384 * 50
_PER_W = _N // _NW
_CHUNK = 128
_NCHUNK = _PER_W // _CHUNK
_NBLK = _PER_W // _L
_NBUF = 4


def _body(x_hbm, w1_hbm, w2_hbm, out_hbm,
          x_v, idx_v, pos_v, pos_c, b0, b1, b2, b3, buf_b,
          sg0, sg1, sg2, sg3, ss0, ss1, ss2, ss3, sem_gb):
    bufs = (b0, b1, b2, b3)
    sems_g = (sg0, sg1, sg2, sg3)
    sems_s = (ss0, ss1, ss2, ss3)

    wid = lax.axis_index("s") * 2 + lax.axis_index("c")
    base = wid * _PER_W
    pltpu.sync_copy(x_hbm.at[pl.ds(base, _PER_W)], x_v)

    lane = lax.iota(jnp.int32, _L)

    def compact_step(i, carry):
        o1, o2 = carry
        xv = x_v[pl.ds(i * _L, _L)]
        m1 = xv < _PIVOT
        iv = jnp.where(m1, xv, xv - _PIVOT)
        pv = base + i * _L + lane
        c1v = plsc.all_reduce_population_count(m1)
        c1 = c1v[0]
        s1 = plsc.cumsum(jnp.where(m1, jnp.int32(1), jnp.int32(0)))
        dest = jnp.where(m1, o1 + s1 - 1, o2 - (lane + 1 - s1))
        plsc.store_scatter(idx_v, [dest], iv)
        plsc.store_scatter(pos_v, [dest], pv)
        return o1 + c1, o2 - (_L - c1)

    k1, _ = lax.fori_loop(0, _NBLK, compact_step,
                          (jnp.int32(0), jnp.int32(_PER_W)))

    def idx_slice(c):
        return idx_v.at[pl.ds(c * _CHUNK, _CHUNK)]

    def issue_gather(c, p):
        r = k1 - c * _CHUNK
        sl = idx_slice(c)

        @pl.when(r >= _CHUNK)
        def _():
            pltpu.async_copy(w1_hbm.at[sl], bufs[p], sems_g[p])

        @pl.when(r <= 0)
        def _():
            pltpu.async_copy(w2_hbm.at[sl], bufs[p], sems_g[p])

        @pl.when(jnp.logical_and(r > 0, r < _CHUNK))
        def _():
            pltpu.async_copy(w1_hbm.at[sl], bufs[p], sems_g[p])
            pltpu.async_copy(w2_hbm.at[sl], buf_b, sem_gb)

    def wait_gather(c, p):
        r = k1 - c * _CHUNK
        pltpu.make_async_copy(w1_hbm.at[idx_slice(c)], bufs[p], sems_g[p]).wait()

        @pl.when(jnp.logical_and(r > 0, r < _CHUNK))
        def _():
            pltpu.make_async_copy(w2_hbm.at[idx_slice(c)], buf_b, sem_gb).wait()

            def merge_row(j, cc):
                @pl.when(j >= r)
                def _():
                    for d in range(_D // _L):
                        bufs[p][j, pl.ds(d * _L, _L)] = buf_b[j, pl.ds(d * _L, _L)]
                return cc

            lax.fori_loop(0, _CHUNK, merge_row, 0)

    def issue_scatter(c, p):
        for t in range(_CHUNK // _L):
            pos_c[p, pl.ds(t * _L, _L)] = pos_v[pl.ds(c * _CHUNK + t * _L, _L)]
        pltpu.async_copy(bufs[p], out_hbm.at[pos_c.at[p]], sems_s[p])

    def wait_scatter(c, p):
        pltpu.make_async_copy(bufs[p], out_hbm.at[pos_c.at[p]], sems_s[p]).wait()

    for u in range(_NBUF - 1):
        issue_gather(jnp.int32(u), u)

    def super_step(c4, carry):
        for u in range(_NBUF):
            t = c4 * _NBUF + u
            pw = (u + _NBUF - 1) % _NBUF

            if u == 0:
                @pl.when(c4 >= 1)
                def _():
                    wait_scatter(t - 1, pw)
            else:
                wait_scatter(t - 1, pw)

            @pl.when(t + _NBUF - 1 < _NCHUNK)
            def _():
                issue_gather(t + _NBUF - 1, pw)

            wait_gather(t, u)
            issue_scatter(t, u)
        return carry

    lax.fori_loop(0, _NCHUNK // _NBUF, super_step, 0)
    wait_scatter(_NCHUNK - 1, (_NCHUNK - 1) % _NBUF)


_lookup = functools.partial(
    pl.kernel,
    out_type=jax.ShapeDtypeStruct((_N, _D), jnp.float32),
    mesh=plsc.VectorSubcoreMesh(core_axis_name="c", subcore_axis_name="s"),
    compiler_params=pltpu.CompilerParams(needs_layout_passes=False, use_tc_tiling_on_sc=False),
    scratch_types=[
        pltpu.VMEM((_PER_W,), jnp.int32),
        pltpu.VMEM((_PER_W + _L,), jnp.int32),
        pltpu.VMEM((_PER_W + _L,), jnp.int32),
        pltpu.VMEM((_NBUF, _CHUNK), jnp.int32),
        pltpu.VMEM((_CHUNK, _D), jnp.float32),
        pltpu.VMEM((_CHUNK, _D), jnp.float32),
        pltpu.VMEM((_CHUNK, _D), jnp.float32),
        pltpu.VMEM((_CHUNK, _D), jnp.float32),
        pltpu.VMEM((_CHUNK, _D), jnp.float32),
        pltpu.SemaphoreType.DMA,
        pltpu.SemaphoreType.DMA,
        pltpu.SemaphoreType.DMA,
        pltpu.SemaphoreType.DMA,
        pltpu.SemaphoreType.DMA,
        pltpu.SemaphoreType.DMA,
        pltpu.SemaphoreType.DMA,
        pltpu.SemaphoreType.DMA,
        pltpu.SemaphoreType.DMA,
    ],
)(_body)


def kernel(x, W1, W2):
    xf = x.reshape(-1).astype(jnp.int32)
    out = _lookup(xf, W1, W2)
    return out.reshape(x.shape + (_D,))

# --- scband reference (transcript-rebuilt; emitter-appended) ---
"""Pipeline reference for scband-partially-frozen-embedding-90366111908078 (READ-ONLY COPY).

The authoritative reference and input builder live on the scoring server;
editing this copy changes nothing except your own understanding.
"""

import jax, jax.numpy as jnp
import numpy as np

NUM_EMBEDDINGS = 1000000
EMBEDDING_DIM = 64
PIVOT = 500000


def setup_inputs(seed: int = 0) -> dict:
    key = jax.random.key(seed)
    k1, k2, k3 = jax.random.split(key, 3)
    x = jax.random.randint(k1, (16384, 50), 0, NUM_EMBEDDINGS, dtype=jnp.int64) if jax.config.jax_enable_x64 else jax.random.randint(k1, (16384, 50), 0, NUM_EMBEDDINGS).astype(jnp.int32)
    # frozen table (rows [0, pivot)) and trainable table (rows [pivot, vocab))
    W1 = jax.random.normal(k2, (PIVOT, EMBEDDING_DIM), dtype=jnp.float32)
    W2 = jax.random.normal(k3, (NUM_EMBEDDINGS - PIVOT, EMBEDDING_DIM), dtype=jnp.float32)
    return {"x": x, "W1": W1, "W2": W2}


def reference(x, W1, W2):
    pivot = W1.shape[0]
    mask = x < pivot  # True -> frozen table, False -> trainable table
    idx1 = jnp.where(mask, x, 0)
    idx2 = jnp.where(mask, 0, x - pivot)
    e1 = jnp.take(W1, idx1, axis=0)
    e2 = jnp.take(W2, idx2, axis=0)
    e = jnp.where(mask[..., None], e1, e2).astype(jnp.float32)
    return e

if __name__ == "__main__":
    import jax
    _d = setup_inputs()
    print(jax.jit(kernel)(*tuple(_d.values())))

</pallas_src>

<mosaic_0001>
#map = affine_map<(d0, d1) -> (0)>
#map1 = affine_map<(d0, d1) -> (0, 0)>
module attributes {stable_mosaic.version = 14 : i64} {
  func.func @_body(%arg0: i32, %arg1: i32, %arg2: memref<819200xi32, #tpu.memory_space<hbm>>, %arg3: memref<500000x64xf32, #tpu.memory_space<hbm>>, %arg4: memref<500000x64xf32, #tpu.memory_space<hbm>>, %arg5: memref<819200x64xf32, #tpu.memory_space<hbm>>, %arg6: memref<25600xi32, #tpu.memory_space<vmem>>, %arg7: memref<25616xi32, #tpu.memory_space<vmem>>, %arg8: memref<25616xi32, #tpu.memory_space<vmem>>, %arg9: memref<4x128xi32, #tpu.memory_space<vmem>>, %arg10: memref<128x64xf32, #tpu.memory_space<vmem>>, %arg11: memref<128x64xf32, #tpu.memory_space<vmem>>, %arg12: memref<128x64xf32, #tpu.memory_space<vmem>>, %arg13: memref<128x64xf32, #tpu.memory_space<vmem>>, %arg14: memref<128x64xf32, #tpu.memory_space<vmem>>, %arg15: memref<!tpu.dma_semaphore, #tpu.memory_space<semaphore_mem>>, %arg16: memref<!tpu.dma_semaphore, #tpu.memory_space<semaphore_mem>>, %arg17: memref<!tpu.dma_semaphore, #tpu.memory_space<semaphore_mem>>, %arg18: memref<!tpu.dma_semaphore, #tpu.memory_space<semaphore_mem>>, %arg19: memref<!tpu.dma_semaphore, #tpu.memory_space<semaphore_mem>>, %arg20: memref<!tpu.dma_semaphore, #tpu.memory_space<semaphore_mem>>, %arg21: memref<!tpu.dma_semaphore, #tpu.memory_space<semaphore_mem>>, %arg22: memref<!tpu.dma_semaphore, #tpu.memory_space<semaphore_mem>>, %arg23: memref<!tpu.dma_semaphore, #tpu.memory_space<semaphore_mem>>) attributes {dimension_semantics = [#tpu.dimension_semantics<core_parallel>, #tpu.dimension_semantics<subcore_parallel>], iteration_bounds = array<i64: 2, 16>, scalar_prefetch = 0 : i64, scratch_operands = 18 : i64, tpu.core_type = #tpu.core_type<sc_vector_subcore>, window_params = [{transform_indices = #map}, {transform_indices = #map1}, {transform_indices = #map1}, {transform_indices = #map1}]} {
    %mul3A = arith.constant 2 : i32
    %mul3A_0 = arith.muli %arg1, %mul3A : i32
    %add3A = arith.addi %mul3A_0, %arg0 : i32
    %mul3A_1 = arith.constant 25600 : i32
    %mul3A_2 = arith.muli %add3A, %mul3A_1 : i32
    "tpu.region"() ({
      %run_scoped3A = tpu.sem_alloc : memref<!tpu.dma_semaphore, #tpu.memory_space<semaphore_mem>>
      %dma_start3A = tpu.memref_slice %arg2[%mul3A_2] : memref<819200xi32, #tpu.memory_space<hbm>> -> memref<25600xi32, #tpu.memory_space<hbm>>
      %dma_start3A_89 = tpu.memref_slice %arg2[%mul3A_2] : memref<819200xi32, #tpu.memory_space<hbm>> -> memref<25600xi32, #tpu.memory_space<hbm>>
      tpu.enqueue_dma source(%dma_start3A_89 : memref<25600xi32, #tpu.memory_space<hbm>>) target(%arg6 : memref<25600xi32, #tpu.memory_space<vmem>>) target_semaphore(%run_scoped3A : memref<!tpu.dma_semaphore, #tpu.memory_space<semaphore_mem>>)
      %dma_wait3A_90 = tpu.memref_slice %arg2[%mul3A_2] : memref<819200xi32, #tpu.memory_space<hbm>> -> memref<25600xi32, #tpu.memory_space<hbm>>
      %dma_wait3A_91 = tpu.memref_slice %arg2[%mul3A_2] : memref<819200xi32, #tpu.memory_space<hbm>> -> memref<25600xi32, #tpu.memory_space<hbm>>
      tpu.wait_dma2 semaphore(%run_scoped3A : memref<!tpu.dma_semaphore, #tpu.memory_space<semaphore_mem>>) src(%dma_wait3A_91 : memref<25600xi32, #tpu.memory_space<hbm>>) dst(%arg6 : memref<25600xi32, #tpu.memory_space<vmem>>)
      tpu.yield
    }) : () -> ()
    %iota3A = tpu.iota {dimensions = array<i32: 0>} : vector<16xi32>
    %scan3A = arith.constant 0 : i32
    %scan3A_3 = arith.constant 25600 : i32
    %scan3A_4 = arith.constant 0 : i32
    %scan3A_5 = arith.constant 1600 : i32
    %scan3A_6 = arith.addi %scan3A_4, %scan3A_5 : i32
    %scan3A_7 = arith.constant 1 : i32
    %scan3A_8:2 = scf.for %scan3A_89 = %scan3A_4 to %scan3A_6 step %scan3A_7 iter_args(%scan3A_90 = %scan3A, %scan3A_91 = %scan3A_3) -> (i32, i32)  : i32 {
      %mul3A_92 = arith.constant 16 : i32
      %mul3A_93 = arith.muli %scan3A_89, %mul3A_92 : i32
      %get3A = arith.index_cast %mul3A_93 : i32 to index
      %get3A_94 = tpu.vector_load %arg6[%get3A] {strides = array<i32>} : memref<25600xi32, #tpu.memory_space<vmem>>, vector<16xi32>,
      %lt3A_95 = arith.constant 500000 : i32
      %lt3A_96 = vector.broadcast %lt3A_95 : i32 to vector<16xi32>
      %lt3A_97 = arith.cmpi slt, %get3A_94, %lt3A_96 : vector<16xi32>
      %sub3A_98 = arith.constant 500000 : i32
      %sub3A_99 = vector.broadcast %sub3A_98 : i32 to vector<16xi32>
      %sub3A_100 = arith.subi %get3A_94, %sub3A_99 : vector<16xi32>
      %select_n3A = arith.select %lt3A_97, %get3A_94, %sub3A_100 : vector<16xi1>, vector<16xi32>
      %mul3A_101 = arith.constant 16 : i32
      %mul3A_102 = arith.muli %scan3A_89, %mul3A_101 : i32
      %add3A_103 = arith.addi %mul3A_2, %mul3A_102 : i32
      %add3A_104 = vector.broadcast %add3A_103 : i32 to vector<16xi32>
      %add3A_105 = arith.addi %add3A_104, %iota3A : vector<16xi32>
      %all_reduce_population_count3A = tpu.all_reduce %lt3A_97 {dim = 0 : i64, kind = #tpu.reduction_kind<sum>} : vector<16xi1> -> vector<16xi32>
      %slice3A = vector.extract_strided_slice %all_reduce_population_count3A {offsets = [0], sizes = [1], strides = [1]} : vector<16xi32> to vector<1xi32>
      %squeeze3A = vector.extract %slice3A[0] : i32 from vector<1xi32>
      %jit3A = arith.constant 1 : i32
      %jit3A_106 = arith.constant 0 : i32
      %broadcast_in_dim3A = vector.broadcast %jit3A : i32 to vector<16xi32>
      %broadcast_in_dim3A_107 = vector.broadcast %jit3A_106 : i32 to vector<16xi32>
      %select_n3A_108 = arith.select %lt3A_97, %broadcast_in_dim3A, %broadcast_in_dim3A_107 : vector<16xi1>, vector<16xi32>
      %broadcast_in_dim3A_109 = arith.constant true
      %broadcast_in_dim3A_110 = vector.broadcast %broadcast_in_dim3A_109 : i1 to vector<16xi1>
      %masked_cumsum3A = tpu.scan <sum>, %select_n3A_108 masked %broadcast_in_dim3A_110 : vector<16xi32>, vector<16xi1> -> vector<16xi32>
      %add3A_111 = vector.broadcast %scan3A_90 : i32 to vector<16xi32>
      %add3A_112 = arith.addi %add3A_111, %masked_cumsum3A : vector<16xi32>
      %sub3A_113 = arith.constant 1 : i32
      %sub3A_114 = vector.broadcast %sub3A_113 : i32 to vector<16xi32>
      %sub3A_115 = arith.subi %add3A_112, %sub3A_114 : vector<16xi32>
      %add3A_116 = arith.constant 1 : i32
      %add3A_117 = vector.broadcast %add3A_116 : i32 to vector<16xi32>
      %add3A_118 = arith.addi %iota3A, %add3A_117 : vector<16xi32>
      %sub3A_119 = arith.subi %add3A_118, %masked_cumsum3A : vector<16xi32>
      %sub3A_120 = vector.broadcast %scan3A_91 : i32 to vector<16xi32>
      %sub3A_121 = arith.subi %sub3A_120, %sub3A_119 : vector<16xi32>
      %select_n3A_122 = arith.select %lt3A_97, %sub3A_115, %sub3A_121 : vector<16xi1>, vector<16xi32>
      tpu.vector_store_idx %arg7[%select_n3A_122], %select_n3A : memref<25616xi32, #tpu.memory_space<vmem>>[vector<16xi32>], vector<16xi32>,
      tpu.vector_store_idx %arg8[%select_n3A_122], %add3A_105 : memref<25616xi32, #tpu.memory_space<vmem>>[vector<16xi32>], vector<16xi32>,
      %add3A_123 = arith.addi %scan3A_90, %squeeze3A : i32
      %sub3A_124 = arith.constant 16 : i32
      %sub3A_125 = arith.subi %sub3A_124, %squeeze3A : i32
      %sub3A_126 = arith.subi %scan3A_91, %sub3A_125 : i32
      scf.yield %add3A_123, %sub3A_126 : i32, i32
    }
    %scan3A_9 = arith.constant 1600 : i32
    %mul3A_10 = arith.constant 0 : i32
    %mul3A_11 = arith.constant 128 : i32
    %mul3A_12 = arith.muli %mul3A_10, %mul3A_11 : i32
    %sub3A = arith.subi %scan3A_8#0, %mul3A_12 : i32
    %mul3A_13 = arith.constant 0 : i32
    %mul3A_14 = arith.constant 128 : i32
    %mul3A_15 = arith.muli %mul3A_13, %mul3A_14 : i32
    %ge3A = arith.constant 128 : i32
    %ge3A_16 = arith.cmpi sge, %sub3A, %ge3A : i32
    %convert_element_type3A = arith.extui %ge3A_16 : i1 to i32
    %cond3A = arith.constant 0 : i32
    %cond3A_17 = arith.cmpi ne, %convert_element_type3A, %cond3A : i32
    scf.if %cond3A_17 {
      %dma_start3A = tpu.memref_slice %arg7[%mul3A_15] : memref<25616xi32, #tpu.memory_space<vmem>> -> memref<128xi32, #tpu.memory_space<vmem>>
      %dma_start3A_89 = arith.constant 0 : i32
      %dma_start3A_90 = arith.constant 0 : i32
      %dma_start3A_91 = tpu.memref_slice %arg3[%dma_start3A_89, %dma_start3A_90] : memref<500000x64xf32, #tpu.memory_space<hbm>> -> memref<500000x64xf32, #tpu.memory_space<hbm>>
      tpu.enqueue_indirect_dma source(%dma_start3A_91 : memref<500000x64xf32, #tpu.memory_space<hbm>>) target(%arg10 : memref<128x64xf32, #tpu.memory_space<vmem>>) offsets(%dma_start3A : memref<128xi32, #tpu.memory_space<vmem>>) semaphore(%arg15 : memref<!tpu.dma_semaphore, #tpu.memory_space<semaphore_mem>>)
    } else {
    }
    %le3A = arith.constant 0 : i32
    %le3A_18 = arith.cmpi sle, %sub3A, %le3A : i32
    %convert_element_type3A_19 = arith.extui %le3A_18 : i1 to i32
    %cond3A_20 = arith.constant 0 : i32
    %cond3A_21 = arith.cmpi ne, %convert_element_type3A_19, %cond3A_20 : i32
    scf.if %cond3A_21 {
      %dma_start3A = tpu.memref_slice %arg7[%mul3A_15] : memref<25616xi32, #tpu.memory_space<vmem>> -> memref<128xi32, #tpu.memory_space<vmem>>
      %dma_start3A_89 = arith.constant 0 : i32
      %dma_start3A_90 = arith.constant 0 : i32
      %dma_start3A_91 = tpu.memref_slice %arg4[%dma_start3A_89, %dma_start3A_90] : memref<500000x64xf32, #tpu.memory_space<hbm>> -> memref<500000x64xf32, #tpu.memory_space<hbm>>
      tpu.enqueue_indirect_dma source(%dma_start3A_91 : memref<500000x64xf32, #tpu.memory_space<hbm>>) target(%arg10 : memref<128x64xf32, #tpu.memory_space<vmem>>) offsets(%dma_start3A : memref<128xi32, #tpu.memory_space<vmem>>) semaphore(%arg15 : memref<!tpu.dma_semaphore, #tpu.memory_space<semaphore_mem>>)
    } else {
    }
    %gt3A = arith.constant 0 : i32
    %gt3A_22 = arith.cmpi sgt, %sub3A, %gt3A : i32
    %lt3A = arith.constant 128 : i32
    %lt3A_23 = arith.cmpi slt, %sub3A, %lt3A : i32
    %and3A = arith.andi %gt3A_22, %lt3A_23 : i1
    %convert_element_type3A_24 = arith.extui %and3A : i1 to i32
    %cond3A_25 = arith.constant 0 : i32
    %cond3A_26 = arith.cmpi ne, %convert_element_type3A_24, %cond3A_25 : i32
    scf.if %cond3A_26 {
      %dma_start3A = tpu.memref_slice %arg7[%mul3A_15] : memref<25616xi32, #tpu.memory_space<vmem>> -> memref<128xi32, #tpu.memory_space<vmem>>
      %dma_start3A_89 = arith.constant 0 : i32
      %dma_start3A_90 = arith.constant 0 : i32
      %dma_start3A_91 = tpu.memref_slice %arg3[%dma_start3A_89, %dma_start3A_90] : memref<500000x64xf32, #tpu.memory_space<hbm>> -> memref<500000x64xf32, #tpu.memory_space<hbm>>
      tpu.enqueue_indirect_dma source(%dma_start3A_91 : memref<500000x64xf32, #tpu.memory_space<hbm>>) target(%arg10 : memref<128x64xf32, #tpu.memory_space<vmem>>) offsets(%dma_start3A : memref<128xi32, #tpu.memory_space<vmem>>) semaphore(%arg15 : memref<!tpu.dma_semaphore, #tpu.memory_space<semaphore_mem>>)
      %dma_start3A_92 = tpu.memref_slice %arg7[%mul3A_15] : memref<25616xi32, #tpu.memory_space<vmem>> -> memref<128xi32, #tpu.memory_space<vmem>>
      %dma_start3A_93 = arith.constant 0 : i32
      %dma_start3A_94 = arith.constant 0 : i32
      %dma_start3A_95 = tpu.memref_slice %arg4[%dma_start3A_93, %dma_start3A_94] : memref<500000x64xf32, #tpu.memory_space<hbm>> -> memref<500000x64xf32, #tpu.memory_space<hbm>>
      tpu.enqueue_indirect_dma source(%dma_start3A_95 : memref<500000x64xf32, #tpu.memory_space<hbm>>) target(%arg14 : memref<128x64xf32, #tpu.memory_space<vmem>>) offsets(%dma_start3A_92 : memref<128xi32, #tpu.memory_space<vmem>>) semaphore(%arg23 : memref<!tpu.dma_semaphore, #tpu.memory_space<semaphore_mem>>)
    } else {
    }
    %mul3A_27 = arith.constant 1 : i32
    %mul3A_28 = arith.constant 128 : i32
    %mul3A_29 = arith.muli %mul3A_27, %mul3A_28 : i32
    %sub3A_30 = arith.subi %scan3A_8#0, %mul3A_29 : i32
    %mul3A_31 = arith.constant 1 : i32
    %mul3A_32 = arith.constant 128 : i32
    %mul3A_33 = arith.muli %mul3A_31, %mul3A_32 : i32
    %ge3A_34 = arith.constant 128 : i32
    %ge3A_35 = arith.cmpi sge, %sub3A_30, %ge3A_34 : i32
    %convert_element_type3A_36 = arith.extui %ge3A_35 : i1 to i32
    %cond3A_37 = arith.constant 0 : i32
    %cond3A_38 = arith.cmpi ne, %convert_element_type3A_36, %cond3A_37 : i32
    scf.if %cond3A_38 {
      %dma_start3A = tpu.memref_slice %arg7[%mul3A_33] : memref<25616xi32, #tpu.memory_space<vmem>> -> memref<128xi32, #tpu.memory_space<vmem>>
      %dma_start3A_89 = arith.constant 0 : i32
      %dma_start3A_90 = arith.constant 0 : i32
      %dma_start3A_91 = tpu.memref_slice %arg3[%dma_start3A_89, %dma_start3A_90] : memref<500000x64xf32, #tpu.memory_space<hbm>> -> memref<500000x64xf32, #tpu.memory_space<hbm>>
      tpu.enqueue_indirect_dma source(%dma_start3A_91 : memref<500000x64xf32, #tpu.memory_space<hbm>>) target(%arg11 : memref<128x64xf32, #tpu.memory_space<vmem>>) offsets(%dma_start3A : memref<128xi32, #tpu.memory_space<vmem>>) semaphore(%arg16 : memref<!tpu.dma_semaphore, #tpu.memory_space<semaphore_mem>>)
    } else {
    }
    %le3A_39 = arith.constant 0 : i32
    %le3A_40 = arith.cmpi sle, %sub3A_30, %le3A_39 : i32
    %convert_element_type3A_41 = arith.extui %le3A_40 : i1 to i32
    %cond3A_42 = arith.constant 0 : i32
    %cond3A_43 = arith.cmpi ne, %convert_element_type3A_41, %cond3A_42 : i32
    scf.if %cond3A_43 {
      %dma_start3A = tpu.memref_slice %arg7[%mul3A_33] : memref<25616xi32, #tpu.memory_space<vmem>> -> memref<128xi32, #tpu.memory_space<vmem>>
      %dma_start3A_89 = arith.constant 0 : i32
      %dma_start3A_90 = arith.constant 0 : i32
      %dma_start3A_91 = tpu.memref_slice %arg4[%dma_start3A_89, %dma_start3A_90] : memref<500000x64xf32, #tpu.memory_space<hbm>> -> memref<500000x64xf32, #tpu.memory_space<hbm>>
      tpu.enqueue_indirect_dma source(%dma_start3A_91 : memref<500000x64xf32, #tpu.memory_space<hbm>>) target(%arg11 : memref<128x64xf32, #tpu.memory_space<vmem>>) offsets(%dma_start3A : memref<128xi32, #tpu.memory_space<vmem>>) semaphore(%arg16 : memref<!tpu.dma_semaphore, #tpu.memory_space<semaphore_mem>>)
    } else {
    }
    %gt3A_44 = arith.constant 0 : i32
    %gt3A_45 = arith.cmpi sgt, %sub3A_30, %gt3A_44 : i32
    %lt3A_46 = arith.constant 128 : i32
    %lt3A_47 = arith.cmpi slt, %sub3A_30, %lt3A_46 : i32
    %and3A_48 = arith.andi %gt3A_45, %lt3A_47 : i1
    %convert_element_type3A_49 = arith.extui %and3A_48 : i1 to i32
    %cond3A_50 = arith.constant 0 : i32
    %cond3A_51 = arith.cmpi ne, %convert_element_type3A_49, %cond3A_50 : i32
    scf.if %cond3A_51 {
      %dma_start3A = tpu.memref_slice %arg7[%mul3A_33] : memref<25616xi32, #tpu.memory_space<vmem>> -> memref<128xi32, #tpu.memory_space<vmem>>
      %dma_start3A_89 = arith.constant 0 : i32
      %dma_start3A_90 = arith.constant 0 : i32
      %dma_start3A_91 = tpu.memref_slice %arg3[%dma_start3A_89, %dma_start3A_90] : memref<500000x64xf32, #tpu.memory_space<hbm>> -> memref<500000x64xf32, #tpu.memory_space<hbm>>
      tpu.enqueue_indirect_dma source(%dma_start3A_91 : memref<500000x64xf32, #tpu.memory_space<hbm>>) target(%arg11 : memref<128x64xf32, #tpu.memory_space<vmem>>) offsets(%dma_start3A : memref<128xi32, #tpu.memory_space<vmem>>) semaphore(%arg16 : memref<!tpu.dma_semaphore, #tpu.memory_space<semaphore_mem>>)
      %dma_start3A_92 = tpu.memref_slice %arg7[%mul3A_33] : memref<25616xi32, #tpu.memory_space<vmem>> -> memref<128xi32, #tpu.memory_space<vmem>>
      %dma_start3A_93 = arith.constant 0 : i32
      %dma_start3A_94 = arith.constant 0 : i32
      %dma_start3A_95 = tpu.memref_slice %arg4[%dma_start3A_93, %dma_start3A_94] : memref<500000x64xf32, #tpu.memory_space<hbm>> -> memref<500000x64xf32, #tpu.memory_space<hbm>>
      tpu.enqueue_indirect_dma source(%dma_start3A_95 : memref<500000x64xf32, #tpu.memory_space<hbm>>) target(%arg14 : memref<128x64xf32, #tpu.memory_space<vmem>>) offsets(%dma_start3A_92 : memref<128xi32, #tpu.memory_space<vmem>>) semaphore(%arg23 : memref<!tpu.dma_semaphore, #tpu.memory_space<semaphore_mem>>)
    } else {
    }
    %mul3A_52 = arith.constant 2 : i32
    %mul3A_53 = arith.constant 128 : i32
    %mul3A_54 = arith.muli %mul3A_52, %mul3A_53 : i32
    %sub3A_55 = arith.subi %scan3A_8#0, %mul3A_54 : i32
    %mul3A_56 = arith.constant 2 : i32
    %mul3A_57 = arith.constant 128 : i32
    %mul3A_58 = arith.muli %mul3A_56, %mul3A_57 : i32
    %ge3A_59 = arith.constant 128 : i32
    %ge3A_60 = arith.cmpi sge, %sub3A_55, %ge3A_59 : i32
    %convert_element_type3A_61 = arith.extui %ge3A_60 : i1 to i32
    %cond3A_62 = arith.constant 0 : i32
    %cond3A_63 = arith.cmpi ne, %convert_element_type3A_61, %cond3A_62 : i32
    scf.if %cond3A_63 {
      %dma_start3A = tpu.memref_slice %arg7[%mul3A_58] : memref<25616xi32, #tpu.memory_space<vmem>> -> memref<128xi32, #tpu.memory_space<vmem>>
      %dma_start3A_89 = arith.constant 0 : i32
      %dma_start3A_90 = arith.constant 0 : i32
      %dma_start3A_91 = tpu.memref_slice %arg3[%dma_start3A_89, %dma_start3A_90] : memref<500000x64xf32, #tpu.memory_space<hbm>> -> memref<500000x64xf32, #tpu.memory_space<hbm>>
      tpu.enqueue_indirect_dma source(%dma_start3A_91 : memref<500000x64xf32, #tpu.memory_space<hbm>>) target(%arg12 : memref<128x64xf32, #tpu.memory_space<vmem>>) offsets(%dma_start3A : memref<128xi32, #tpu.memory_space<vmem>>) semaphore(%arg17 : memref<!tpu.dma_semaphore, #tpu.memory_space<semaphore_mem>>)
    } else {
    }
    %le3A_64 = arith.constant 0 : i32
    %le3A_65 = arith.cmpi sle, %sub3A_55, %le3A_64 : i32
    %convert_element_type3A_66 = arith.extui %le3A_65 : i1 to i32
    %cond3A_67 = arith.constant 0 : i32
    %cond3A_68 = arith.cmpi ne, %convert_element_type3A_66, %cond3A_67 : i32
    scf.if %cond3A_68 {
      %dma_start3A = tpu.memref_slice %arg7[%mul3A_58] : memref<25616xi32, #tpu.memory_space<vmem>> -> memref<128xi32, #tpu.memory_space<vmem>>
      %dma_start3A_89 = arith.constant 0 : i32
      %dma_start3A_90 = arith.constant 0 : i32
      %dma_start3A_91 = tpu.memref_slice %arg4[%dma_start3A_89, %dma_start3A_90] : memref<500000x64xf32, #tpu.memory_space<hbm>> -> memref<500000x64xf32, #tpu.memory_space<hbm>>
      tpu.enqueue_indirect_dma source(%dma_start3A_91 : memref<500000x64xf32, #tpu.memory_space<hbm>>) target(%arg12 : memref<128x64xf32, #tpu.memory_space<vmem>>) offsets(%dma_start3A : memref<128xi32, #tpu.memory_space<vmem>>) semaphore(%arg17 : memref<!tpu.dma_semaphore, #tpu.memory_space<semaphore_mem>>)
    } else {
    }
    %gt3A_69 = arith.constant 0 : i32
    %gt3A_70 = arith.cmpi sgt, %sub3A_55, %gt3A_69 : i32
    %lt3A_71 = arith.constant 128 : i32
    %lt3A_72 = arith.cmpi slt, %sub3A_55, %lt3A_71 : i32
    %and3A_73 = arith.andi %gt3A_70, %lt3A_72 : i1
    %convert_element_type3A_74 = arith.extui %and3A_73 : i1 to i32
    %cond3A_75 = arith.constant 0 : i32
    %cond3A_76 = arith.cmpi ne, %convert_element_type3A_74, %cond3A_75 : i32
    scf.if %cond3A_76 {
      %dma_start3A = tpu.memref_slice %arg7[%mul3A_58] : memref<25616xi32, #tpu.memory_space<vmem>> -> memref<128xi32, #tpu.memory_space<vmem>>
      %dma_start3A_89 = arith.constant 0 : i32
      %dma_start3A_90 = arith.constant 0 : i32
      %dma_start3A_91 = tpu.memref_slice %arg3[%dma_start3A_89, %dma_start3A_90] : memref<500000x64xf32, #tpu.memory_space<hbm>> -> memref<500000x64xf32, #tpu.memory_space<hbm>>
      tpu.enqueue_indirect_dma source(%dma_start3A_91 : memref<500000x64xf32, #tpu.memory_space<hbm>>) target(%arg12 : memref<128x64xf32, #tpu.memory_space<vmem>>) offsets(%dma_start3A : memref<128xi32, #tpu.memory_space<vmem>>) semaphore(%arg17 : memref<!tpu.dma_semaphore, #tpu.memory_space<semaphore_mem>>)
      %dma_start3A_92 = tpu.memref_slice %arg7[%mul3A_58] : memref<25616xi32, #tpu.memory_space<vmem>> -> memref<128xi32, #tpu.memory_space<vmem>>
      %dma_start3A_93 = arith.constant 0 : i32
      %dma_start3A_94 = arith.constant 0 : i32
      %dma_start3A_95 = tpu.memref_slice %arg4[%dma_start3A_93, %dma_start3A_94] : memref<500000x64xf32, #tpu.memory_space<hbm>> -> memref<500000x64xf32, #tpu.memory_space<hbm>>
      tpu.enqueue_indirect_dma source(%dma_start3A_95 : memref<500000x64xf32, #tpu.memory_space<hbm>>) target(%arg14 : memref<128x64xf32, #tpu.memory_space<vmem>>) offsets(%dma_start3A_92 : memref<128xi32, #tpu.memory_space<vmem>>) semaphore(%arg23 : memref<!tpu.dma_semaphore, #tpu.memory_space<semaphore_mem>>)
    } else {
    }
    %scan3A_77 = arith.constant 0 : i32
    %scan3A_78 = arith.constant 0 : i32
    %scan3A_79 = arith.constant 50 : i32
    %scan3A_80 = arith.addi %scan3A_78, %scan3A_79 : i32
    %scan3A_81 = arith.constant 1 : i32
    scf.for %scan3A_89 = %scan3A_78 to %scan3A_80 step %scan3A_81  : i32 {
      %mul3A_90 = arith.constant 4 : i32
      %mul3A_91 = arith.muli %scan3A_89, %mul3A_90 : i32
      %add3A_92 = arith.constant 0 : i32
      %add3A_93 = arith.addi %mul3A_91, %add3A_92 : i32
      %ge3A_94 = arith.constant 1 : i32
      %ge3A_95 = arith.cmpi sge, %scan3A_89, %ge3A_94 : i32
      %convert_element_type3A_96 = arith.extui %ge3A_95 : i1 to i32
      %cond3A_97 = arith.constant 0 : i32
      %cond3A_98 = arith.cmpi ne, %convert_element_type3A_96, %cond3A_97 : i32
      scf.if %cond3A_98 {
        %sub3A_587 = arith.constant 1 : i32
        %sub3A_588 = arith.subi %add3A_93, %sub3A_587 : i32
        %dma_wait3A_589 = arith.constant 3 : i32
        %dma_wait3A_590 = arith.constant 0 : i32
        %dma_wait3A_591 = tpu.memref_slice %arg9[%dma_wait3A_589, %dma_wait3A_590] : memref<4x128xi32, #tpu.memory_space<vmem>> -> memref<1x128xi32, #tpu.memory_space<vmem>>
        %dma_wait3A_592 = tpu.memref_squeeze %dma_wait3A_591 : memref<1x128xi32, #tpu.memory_space<vmem>> -> memref<128xi32, #tpu.memory_space<vmem>>
        %dma_wait3A_593 = arith.constant 0 : i32
        %dma_wait3A_594 = arith.constant 0 : i32
        %dma_wait3A_595 = tpu.memref_slice %arg5[%dma_wait3A_593, %dma_wait3A_594] : memref<819200x64xf32, #tpu.memory_space<hbm>> -> memref<819200x64xf32, #tpu.memory_space<hbm>>
        tpu.wait_indirect_dma semaphore(%arg22 : memref<!tpu.dma_semaphore, #tpu.memory_space<semaphore_mem>>) src(%arg13 : memref<128x64xf32, #tpu.memory_space<vmem>>) dst(%dma_wait3A_595 : memref<819200x64xf32, #tpu.memory_space<hbm>>)
      } else {
      }
      %add3A_99 = arith.constant 4 : i32
      %add3A_100 = arith.addi %add3A_93, %add3A_99 : i32
      %sub3A_101 = arith.constant 1 : i32
      %sub3A_102 = arith.subi %add3A_100, %sub3A_101 : i32
      %lt3A_103 = arith.constant 200 : i32
      %lt3A_104 = arith.cmpi slt, %sub3A_102, %lt3A_103 : i32
      %convert_element_type3A_105 = arith.extui %lt3A_104 : i1 to i32
      %cond3A_106 = arith.constant 0 : i32
      %cond3A_107 = arith.cmpi ne, %convert_element_type3A_105, %cond3A_106 : i32
      scf.if %cond3A_107 {
        %add3A_587 = arith.constant 4 : i32
        %add3A_588 = arith.addi %add3A_93, %add3A_587 : i32
        %sub3A_589 = arith.constant 1 : i32
        %sub3A_590 = arith.subi %add3A_588, %sub3A_589 : i32
        %mul3A_591 = arith.constant 128 : i32
        %mul3A_592 = arith.muli %sub3A_590, %mul3A_591 : i32
        %sub3A_593 = arith.subi %scan3A_8#0, %mul3A_592 : i32
        %mul3A_594 = arith.constant 128 : i32
        %mul3A_595 = arith.muli %sub3A_590, %mul3A_594 : i32
        %ge3A_596 = arith.constant 128 : i32
        %ge3A_597 = arith.cmpi sge, %sub3A_593, %ge3A_596 : i32
        %convert_element_type3A_598 = arith.extui %ge3A_597 : i1 to i32
        %cond3A_599 = arith.constant 0 : i32
        %cond3A_600 = arith.cmpi ne, %convert_element_type3A_598, %cond3A_599 : i32
        scf.if %cond3A_600 {
          %dma_start3A_614 = tpu.memref_slice %arg7[%mul3A_595] : memref<25616xi32, #tpu.memory_space<vmem>> -> memref<128xi32, #tpu.memory_space<vmem>>
          %dma_start3A_615 = arith.constant 0 : i32
          %dma_start3A_616 = arith.constant 0 : i32
          %dma_start3A_617 = tpu.memref_slice %arg3[%dma_start3A_615, %dma_start3A_616] : memref<500000x64xf32, #tpu.memory_space<hbm>> -> memref<500000x64xf32, #tpu.memory_space<hbm>>
          tpu.enqueue_indirect_dma source(%dma_start3A_617 : memref<500000x64xf32, #tpu.memory_space<hbm>>) target(%arg13 : memref<128x64xf32, #tpu.memory_space<vmem>>) offsets(%dma_start3A_614 : memref<128xi32, #tpu.memory_space<vmem>>) semaphore(%arg18 : memref<!tpu.dma_semaphore, #tpu.memory_space<semaphore_mem>>)
        } else {
        }
        %le3A_601 = arith.constant 0 : i32
        %le3A_602 = arith.cmpi sle, %sub3A_593, %le3A_601 : i32
        %convert_element_type3A_603 = arith.extui %le3A_602 : i1 to i32
        %cond3A_604 = arith.constant 0 : i32
        %cond3A_605 = arith.cmpi ne, %convert_element_type3A_603, %cond3A_604 : i32
        scf.if %cond3A_605 {
          %dma_start3A_614 = tpu.memref_slice %arg7[%mul3A_595] : memref<25616xi32, #tpu.memory_space<vmem>> -> memref<128xi32, #tpu.memory_space<vmem>>
          %dma_start3A_615 = arith.constant 0 : i32
          %dma_start3A_616 = arith.constant 0 : i32
          %dma_start3A_617 = tpu.memref_slice %arg4[%dma_start3A_615, %dma_start3A_616] : memref<500000x64xf32, #tpu.memory_space<hbm>> -> memref<500000x64xf32, #tpu.memory_space<hbm>>
          tpu.enqueue_indirect_dma source(%dma_start3A_617 : memref<500000x64xf32, #tpu.memory_space<hbm>>) target(%arg13 : memref<128x64xf32, #tpu.memory_space<vmem>>) offsets(%dma_start3A_614 : memref<128xi32, #tpu.memory_space<vmem>>) semaphore(%arg18 : memref<!tpu.dma_semaphore, #tpu.memory_space<semaphore_mem>>)
        } else {
        }
        %gt3A_606 = arith.constant 0 : i32
        %gt3A_607 = arith.cmpi sgt, %sub3A_593, %gt3A_606 : i32
        %lt3A_608 = arith.constant 128 : i32
        %lt3A_609 = arith.cmpi slt, %sub3A_593, %lt3A_608 : i32
        %and3A_610 = arith.andi %gt3A_607, %lt3A_609 : i1
        %convert_element_type3A_611 = arith.extui %and3A_610 : i1 to i32
        %cond3A_612 = arith.constant 0 : i32
        %cond3A_613 = arith.cmpi ne, %convert_element_type3A_611, %cond3A_612 : i32
        scf.if %cond3A_613 {
          %dma_start3A_614 = tpu.memref_slice %arg7[%mul3A_595] : memref<25616xi32, #tpu.memory_space<vmem>> -> memref<128xi32, #tpu.memory_space<vmem>>
          %dma_start3A_615 = arith.constant 0 : i32
          %dma_start3A_616 = arith.constant 0 : i32
          %dma_start3A_617 = tpu.memref_slice %arg3[%dma_start3A_615, %dma_start3A_616] : memref<500000x64xf32, #tpu.memory_space<hbm>> -> memref<500000x64xf32, #tpu.memory_space<hbm>>
          tpu.enqueue_indirect_dma source(%dma_start3A_617 : memref<500000x64xf32, #tpu.memory_space<hbm>>) target(%arg13 : memref<128x64xf32, #tpu.memory_space<vmem>>) offsets(%dma_start3A_614 : memref<128xi32, #tpu.memory_space<vmem>>) semaphore(%arg18 : memref<!tpu.dma_semaphore, #tpu.memory_space<semaphore_mem>>)
          %dma_start3A_618 = tpu.memref_slice %arg7[%mul3A_595] : memref<25616xi32, #tpu.memory_space<vmem>> -> memref<128xi32, #tpu.memory_space<vmem>>
          %dma_start3A_619 = arith.constant 0 : i32
          %dma_start3A_620 = arith.constant 0 : i32
          %dma_start3A_621 = tpu.memref_slice %arg4[%dma_start3A_619, %dma_start3A_620] : memref<500000x64xf32, #tpu.memory_space<hbm>> -> memref<500000x64xf32, #tpu.memory_space<hbm>>
          tpu.enqueue_indirect_dma source(%dma_start3A_621 : memref<500000x64xf32, #tpu.memory_space<hbm>>) target(%arg14 : memref<128x64xf32, #tpu.memory_space<vmem>>) offsets(%dma_start3A_618 : memref<128xi32, #tpu.memory_space<vmem>>) semaphore(%arg23 : memref<!tpu.dma_semaphore, #tpu.memory_space<semaphore_mem>>)
        } else {
        }
      } else {
      }
      %mul3A_108 = arith.constant 128 : i32
      %mul3A_109 = arith.muli %add3A_93, %mul3A_108 : i32
      %sub3A_110 = arith.subi %scan3A_8#0, %mul3A_109 : i32
      %mul3A_111 = arith.constant 128 : i32
      %mul3A_112 = arith.muli %add3A_93, %mul3A_111 : i32
      %dma_wait3A_113 = tpu.memref_slice %arg7[%mul3A_112] : memref<25616xi32, #tpu.memory_space<vmem>> -> memref<128xi32, #tpu.memory_space<vmem>>
      %dma_wait3A_114 = arith.constant 0 : i32
      %dma_wait3A_115 = arith.constant 0 : i32
      %dma_wait3A_116 = tpu.memref_slice %arg3[%dma_wait3A_114, %dma_wait3A_115] : memref<500000x64xf32, #tpu.memory_space<hbm>> -> memref<500000x64xf32, #tpu.memory_space<hbm>>
      tpu.wait_indirect_dma semaphore(%arg15 : memref<!tpu.dma_semaphore, #tpu.memory_space<semaphore_mem>>) src(%dma_wait3A_116 : memref<500000x64xf32, #tpu.memory_space<hbm>>) dst(%arg10 : memref<128x64xf32, #tpu.memory_space<vmem>>)
      %gt3A_117 = arith.constant 0 : i32
      %gt3A_118 = arith.cmpi sgt, %sub3A_110, %gt3A_117 : i32
      %lt3A_119 = arith.constant 128 : i32
      %lt3A_120 = arith.cmpi slt, %sub3A_110, %lt3A_119 : i32
      %and3A_121 = arith.andi %gt3A_118, %lt3A_120 : i1
      %convert_element_type3A_122 = arith.extui %and3A_121 : i1 to i32
      %cond3A_123 = arith.constant 0 : i32
      %cond3A_124 = arith.cmpi ne, %convert_element_type3A_122, %cond3A_123 : i32
      scf.if %cond3A_124 {
        %mul3A_587 = arith.constant 128 : i32
        %mul3A_588 = arith.muli %add3A_93, %mul3A_587 : i32
        %dma_wait3A_589 = tpu.memref_slice %arg7[%mul3A_588] : memref<25616xi32, #tpu.memory_space<vmem>> -> memref<128xi32, #tpu.memory_space<vmem>>
        %dma_wait3A_590 = arith.constant 0 : i32
        %dma_wait3A_591 = arith.constant 0 : i32
        %dma_wait3A_592 = tpu.memref_slice %arg4[%dma_wait3A_590, %dma_wait3A_591] : memref<500000x64xf32, #tpu.memory_space<hbm>> -> memref<500000x64xf32, #tpu.memory_space<hbm>>
        tpu.wait_indirect_dma semaphore(%arg23 : memref<!tpu.dma_semaphore, #tpu.memory_space<semaphore_mem>>) src(%dma_wait3A_592 : memref<500000x64xf32, #tpu.memory_space<hbm>>) dst(%arg14 : memref<128x64xf32, #tpu.memory_space<vmem>>)
        %scan3A_593 = arith.constant 0 : i32
        %scan3A_594 = arith.constant 0 : i32
        %scan3A_595 = arith.constant 128 : i32
        %scan3A_596 = arith.addi %scan3A_594, %scan3A_595 : i32
        %scan3A_597 = arith.constant 1 : i32
        scf.for %scan3A_599 = %scan3A_594 to %scan3A_596 step %scan3A_597  : i32 {
          %ge3A_600 = arith.cmpi sge, %scan3A_599, %sub3A_110 : i32
          %convert_element_type3A_601 = arith.extui %ge3A_600 : i1 to i32
          %cond3A_602 = arith.constant 0 : i32
          %cond3A_603 = arith.cmpi ne, %convert_element_type3A_601, %cond3A_602 : i32
          scf.if %cond3A_603 {
            %get3A_604 = arith.index_cast %scan3A_599 : i32 to index
            %get3A_605 = arith.constant 0 : index
            %get3A_606 = tpu.vector_load %arg14[%get3A_604, %get3A_605] {strides = array<i32>} : memref<128x64xf32, #tpu.memory_space<vmem>>, vector<16xf32>,
            %swap3A_607 = arith.index_cast %scan3A_599 : i32 to index
            %swap3A_608 = arith.constant 0 : index
            %swap3A_609 = tpu.vector_load %arg10[%swap3A_607, %swap3A_608] {strides = array<i32>} : memref<128x64xf32, #tpu.memory_space<vmem>>, vector<16xf32>,
            tpu.vector_store %arg10[%swap3A_607, %swap3A_608], %get3A_606 {strides = array<i32>} : memref<128x64xf32, #tpu.memory_space<vmem>>, vector<16xf32>,
            %get3A_610 = arith.index_cast %scan3A_599 : i32 to index
            %get3A_611 = arith.constant 16 : index
            %get3A_612 = tpu.vector_load %arg14[%get3A_610, %get3A_611] {strides = array<i32>} : memref<128x64xf32, #tpu.memory_space<vmem>>, vector<16xf32>,
            %swap3A_613 = arith.index_cast %scan3A_599 : i32 to index
            %swap3A_614 = arith.constant 16 : index
            %swap3A_615 = tpu.vector_load %arg10[%swap3A_613, %swap3A_614] {strides = array<i32>} : memref<128x64xf32, #tpu.memory_space<vmem>>, vector<16xf32>,
            tpu.vector_store %arg10[%swap3A_613, %swap3A_614], %get3A_612 {strides = array<i32>} : memref<128x64xf32, #tpu.memory_space<vmem>>, vector<16xf32>,
            %get3A_616 = arith.index_cast %scan3A_599 : i32 to index
            %get3A_617 = arith.constant 32 : index
            %get3A_618 = tpu.vector_load %arg14[%get3A_616, %get3A_617] {strides = array<i32>} : memref<128x64xf32, #tpu.memory_space<vmem>>, vector<16xf32>,
            %swap3A_619 = arith.index_cast %scan3A_599 : i32 to index
            %swap3A_620 = arith.constant 32 : index
            %swap3A_621 = tpu.vector_load %arg10[%swap3A_619, %swap3A_620] {strides = array<i32>} : memref<128x64xf32, #tpu.memory_space<vmem>>, vector<16xf32>,
            tpu.vector_store %arg10[%swap3A_619, %swap3A_620], %get3A_618 {strides = array<i32>} : memref<128x64xf32, #tpu.memory_space<vmem>>, vector<16xf32>,
            %get3A_622 = arith.index_cast %scan3A_599 : i32 to index
            %get3A_623 = arith.constant 48 : index
            %get3A_624 = tpu.vector_load %arg14[%get3A_622, %get3A_623] {strides = array<i32>} : memref<128x64xf32, #tpu.memory_space<vmem>>, vector<16xf32>,
            %swap3A_625 = arith.index_cast %scan3A_599 : i32 to index
            %swap3A_626 = arith.constant 48 : index
            %swap3A_627 = tpu.vector_load %arg10[%swap3A_625, %swap3A_626] {strides = array<i32>} : memref<128x64xf32, #tpu.memory_space<vmem>>, vector<16xf32>,
            tpu.vector_store %arg10[%swap3A_625, %swap3A_626], %get3A_624 {strides = array<i32>} : memref<128x64xf32, #tpu.memory_space<vmem>>, vector<16xf32>,
          } else {
          }
        }
        %scan3A_598 = arith.constant 128 : i32
      } else {
      }
      %mul3A_125 = arith.constant 128 : i32
      %mul3A_126 = arith.muli %add3A_93, %mul3A_125 : i32
      %add3A_127 = arith.constant 0 : i32
      %add3A_128 = arith.addi %mul3A_126, %add3A_127 : i32
      %get3A = arith.index_cast %add3A_128 : i32 to index
      %get3A_129 = tpu.vector_load %arg8[%get3A] {strides = array<i32>} : memref<25616xi32, #tpu.memory_space<vmem>>, vector<16xi32>,
      %swap3A = arith.constant 0 : i32
      %swap3A_130 = arith.index_cast %swap3A : i32 to index
      %swap3A_131 = arith.constant 0 : index
      %swap3A_132 = tpu.vector_load %arg9[%swap3A_130, %swap3A_131] {strides = array<i32>} : memref<4x128xi32, #tpu.memory_space<vmem>>, vector<16xi32>,
      tpu.vector_store %arg9[%swap3A_130, %swap3A_131], %get3A_129 {strides = array<i32>} : memref<4x128xi32, #tpu.memory_space<vmem>>, vector<16xi32>,
      %mul3A_133 = arith.constant 128 : i32
      %mul3A_134 = arith.muli %add3A_93, %mul3A_133 : i32
      %add3A_135 = arith.constant 16 : i32
      %add3A_136 = arith.addi %mul3A_134, %add3A_135 : i32
      %get3A_137 = arith.index_cast %add3A_136 : i32 to index
      %get3A_138 = tpu.vector_load %arg8[%get3A_137] {strides = array<i32>} : memref<25616xi32, #tpu.memory_space<vmem>>, vector<16xi32>,
      %swap3A_139 = arith.constant 0 : i32
      %swap3A_140 = arith.index_cast %swap3A_139 : i32 to index
      %swap3A_141 = arith.constant 16 : index
      %swap3A_142 = tpu.vector_load %arg9[%swap3A_140, %swap3A_141] {strides = array<i32>} : memref<4x128xi32, #tpu.memory_space<vmem>>, vector<16xi32>,
      tpu.vector_store %arg9[%swap3A_140, %swap3A_141], %get3A_138 {strides = array<i32>} : memref<4x128xi32, #tpu.memory_space<vmem>>, vector<16xi32>,
      %mul3A_143 = arith.constant 128 : i32
      %mul3A_144 = arith.muli %add3A_93, %mul3A_143 : i32
      %add3A_145 = arith.constant 32 : i32
      %add3A_146 = arith.addi %mul3A_144, %add3A_145 : i32
      %get3A_147 = arith.index_cast %add3A_146 : i32 to index
      %get3A_148 = tpu.vector_load %arg8[%get3A_147] {strides = array<i32>} : memref<25616xi32, #tpu.memory_space<vmem>>, vector<16xi32>,
      %swap3A_149 = arith.constant 0 : i32
      %swap3A_150 = arith.index_cast %swap3A_149 : i32 to index
      %swap3A_151 = arith.constant 32 : index
      %swap3A_152 = tpu.vector_load %arg9[%swap3A_150, %swap3A_151] {strides = array<i32>} : memref<4x128xi32, #tpu.memory_space<vmem>>, vector<16xi32>,
      tpu.vector_store %arg9[%swap3A_150, %swap3A_151], %get3A_148 {strides = array<i32>} : memref<4x128xi32, #tpu.memory_space<vmem>>, vector<16xi32>,
      %mul3A_153 = arith.constant 128 : i32
      %mul3A_154 = arith.muli %add3A_93, %mul3A_153 : i32
      %add3A_155 = arith.constant 48 : i32
      %add3A_156 = arith.addi %mul3A_154, %add3A_155 : i32
      %get3A_157 = arith.index_cast %add3A_156 : i32 to index
      %get3A_158 = tpu.vector_load %arg8[%get3A_157] {strides = array<i32>} : memref<25616xi32, #tpu.memory_space<vmem>>, vector<16xi32>,
      %swap3A_159 = arith.constant 0 : i32
      %swap3A_160 = arith.index_cast %swap3A_159 : i32 to index
      %swap3A_161 = arith.constant 48 : index
      %swap3A_162 = tpu.vector_load %arg9[%swap3A_160, %swap3A_161] {strides = array<i32>} : memref<4x128xi32, #tpu.memory_space<vmem>>, vector<16xi32>,
      tpu.vector_store %arg9[%swap3A_160, %swap3A_161], %get3A_158 {strides = array<i32>} : memref<4x128xi32, #tpu.memory_space<vmem>>, vector<16xi32>,
      %mul3A_163 = arith.constant 128 : i32
      %mul3A_164 = arith.muli %add3A_93, %mul3A_163 : i32
      %add3A_165 = arith.constant 64 : i32
      %add3A_166 = arith.addi %mul3A_164, %add3A_165 : i32
      %get3A_167 = arith.index_cast %add3A_166 : i32 to index
      %get3A_168 = tpu.vector_load %arg8[%get3A_167] {strides = array<i32>} : memref<25616xi32, #tpu.memory_space<vmem>>, vector<16xi32>,
      %swap3A_169 = arith.constant 0 : i32
      %swap3A_170 = arith.index_cast %swap3A_169 : i32 to index
      %swap3A_171 = arith.constant 64 : index
      %swap3A_172 = tpu.vector_load %arg9[%swap3A_170, %swap3A_171] {strides = array<i32>} : memref<4x128xi32, #tpu.memory_space<vmem>>, vector<16xi32>,
      tpu.vector_store %arg9[%swap3A_170, %swap3A_171], %get3A_168 {strides = array<i32>} : memref<4x128xi32, #tpu.memory_space<vmem>>, vector<16xi32>,
      %mul3A_173 = arith.constant 128 : i32
      %mul3A_174 = arith.muli %add3A_93, %mul3A_173 : i32
      %add3A_175 = arith.constant 80 : i32
      %add3A_176 = arith.addi %mul3A_174, %add3A_175 : i32
      %get3A_177 = arith.index_cast %add3A_176 : i32 to index
      %get3A_178 = tpu.vector_load %arg8[%get3A_177] {strides = array<i32>} : memref<25616xi32, #tpu.memory_space<vmem>>, vector<16xi32>,
      %swap3A_179 = arith.constant 0 : i32
      %swap3A_180 = arith.index_cast %swap3A_179 : i32 to index
      %swap3A_181 = arith.constant 80 : index
      %swap3A_182 = tpu.vector_load %arg9[%swap3A_180, %swap3A_181] {strides = array<i32>} : memref<4x128xi32, #tpu.memory_space<vmem>>, vector<16xi32>,
      tpu.vector_store %arg9[%swap3A_180, %swap3A_181], %get3A_178 {strides = array<i32>} : memref<4x128xi32, #tpu.memory_space<vmem>>, vector<16xi32>,
      %mul3A_183 = arith.constant 128 : i32
      %mul3A_184 = arith.muli %add3A_93, %mul3A_183 : i32
      %add3A_185 = arith.constant 96 : i32
      %add3A_186 = arith.addi %mul3A_184, %add3A_185 : i32
      %get3A_187 = arith.index_cast %add3A_186 : i32 to index
      %get3A_188 = tpu.vector_load %arg8[%get3A_187] {strides = array<i32>} : memref<25616xi32, #tpu.memory_space<vmem>>, vector<16xi32>,
      %swap3A_189 = arith.constant 0 : i32
      %swap3A_190 = arith.index_cast %swap3A_189 : i32 to index
      %swap3A_191 = arith.constant 96 : index
      %swap3A_192 = tpu.vector_load %arg9[%swap3A_190, %swap3A_191] {strides = array<i32>} : memref<4x128xi32, #tpu.memory_space<vmem>>, vector<16xi32>,
      tpu.vector_store %arg9[%swap3A_190, %swap3A_191], %get3A_188 {strides = array<i32>} : memref<4x128xi32, #tpu.memory_space<vmem>>, vector<16xi32>,
      %mul3A_193 = arith.constant 128 : i32
      %mul3A_194 = arith.muli %add3A_93, %mul3A_193 : i32
      %add3A_195 = arith.constant 112 : i32
      %add3A_196 = arith.addi %mul3A_194, %add3A_195 : i32
      %get3A_197 = arith.index_cast %add3A_196 : i32 to index
      %get3A_198 = tpu.vector_load %arg8[%get3A_197] {strides = array<i32>} : memref<25616xi32, #tpu.memory_space<vmem>>, vector<16xi32>,
      %swap3A_199 = arith.constant 0 : i32
      %swap3A_200 = arith.index_cast %swap3A_199 : i32 to index
      %swap3A_201 = arith.constant 112 : index
      %swap3A_202 = tpu.vector_load %arg9[%swap3A_200, %swap3A_201] {strides = array<i32>} : memref<4x128xi32, #tpu.memory_space<vmem>>, vector<16xi32>,
      tpu.vector_store %arg9[%swap3A_200, %swap3A_201], %get3A_198 {strides = array<i32>} : memref<4x128xi32, #tpu.memory_space<vmem>>, vector<16xi32>,
      %dma_start3A = arith.constant 0 : i32
      %dma_start3A_203 = arith.constant 0 : i32
      %dma_start3A_204 = tpu.memref_slice %arg9[%dma_start3A, %dma_start3A_203] : memref<4x128xi32, #tpu.memory_space<vmem>> -> memref<1x128xi32, #tpu.memory_space<vmem>>
      %dma_start3A_205 = tpu.memref_squeeze %dma_start3A_204 : memref<1x128xi32, #tpu.memory_space<vmem>> -> memref<128xi32, #tpu.memory_space<vmem>>
      %dma_start3A_206 = arith.constant 0 : i32
      %dma_start3A_207 = arith.constant 0 : i32
      %dma_start3A_208 = tpu.memref_slice %arg5[%dma_start3A_206, %dma_start3A_207] : memref<819200x64xf32, #tpu.memory_space<hbm>> -> memref<819200x64xf32, #tpu.memory_space<hbm>>
      tpu.enqueue_indirect_dma source(%arg10 : memref<128x64xf32, #tpu.memory_space<vmem>>) target(%dma_start3A_208 : memref<819200x64xf32, #tpu.memory_space<hbm>>) offsets(%dma_start3A_205 : memref<128xi32, #tpu.memory_space<vmem>>) semaphore(%arg19 : memref<!tpu.dma_semaphore, #tpu.memory_space<semaphore_mem>>)
      %mul3A_209 = arith.constant 4 : i32
      %mul3A_210 = arith.muli %scan3A_89, %mul3A_209 : i32
      %add3A_211 = arith.constant 1 : i32
      %add3A_212 = arith.addi %mul3A_210, %add3A_211 : i32
      %sub3A_213 = arith.constant 1 : i32
      %sub3A_214 = arith.subi %add3A_212, %sub3A_213 : i32
      %dma_wait3A_215 = arith.constant 0 : i32
      %dma_wait3A_216 = arith.constant 0 : i32
      %dma_wait3A_217 = tpu.memref_slice %arg9[%dma_wait3A_215, %dma_wait3A_216] : memref<4x128xi32, #tpu.memory_space<vmem>> -> memref<1x128xi32, #tpu.memory_space<vmem>>
      %dma_wait3A_218 = tpu.memref_squeeze %dma_wait3A_217 : memref<1x128xi32, #tpu.memory_space<vmem>> -> memref<128xi32, #tpu.memory_space<vmem>>
      %dma_wait3A_219 = arith.constant 0 : i32
      %dma_wait3A_220 = arith.constant 0 : i32
      %dma_wait3A_221 = tpu.memref_slice %arg5[%dma_wait3A_219, %dma_wait3A_220] : memref<819200x64xf32, #tpu.memory_space<hbm>> -> memref<819200x64xf32, #tpu.memory_space<hbm>>
      tpu.wait_indirect_dma semaphore(%arg19 : memref<!tpu.dma_semaphore, #tpu.memory_space<semaphore_mem>>) src(%arg10 : memref<128x64xf32, #tpu.memory_space<vmem>>) dst(%dma_wait3A_221 : memref<819200x64xf32, #tpu.memory_space<hbm>>)
      %add3A_222 = arith.constant 4 : i32
      %add3A_223 = arith.addi %add3A_212, %add3A_222 : i32
      %sub3A_224 = arith.constant 1 : i32
      %sub3A_225 = arith.subi %add3A_223, %sub3A_224 : i32
      %lt3A_226 = arith.constant 200 : i32
      %lt3A_227 = arith.cmpi slt, %sub3A_225, %lt3A_226 : i32
      %convert_element_type3A_228 = arith.extui %lt3A_227 : i1 to i32
      %cond3A_229 = arith.constant 0 : i32
      %cond3A_230 = arith.cmpi ne, %convert_element_type3A_228, %cond3A_229 : i32
      scf.if %cond3A_230 {
        %add3A_587 = arith.constant 4 : i32
        %add3A_588 = arith.addi %add3A_212, %add3A_587 : i32
        %sub3A_589 = arith.constant 1 : i32
        %sub3A_590 = arith.subi %add3A_588, %sub3A_589 : i32
        %mul3A_591 = arith.constant 128 : i32
        %mul3A_592 = arith.muli %sub3A_590, %mul3A_591 : i32
        %sub3A_593 = arith.subi %scan3A_8#0, %mul3A_592 : i32
        %mul3A_594 = arith.constant 128 : i32
        %mul3A_595 = arith.muli %sub3A_590, %mul3A_594 : i32
        %ge3A_596 = arith.constant 128 : i32
        %ge3A_597 = arith.cmpi sge, %sub3A_593, %ge3A_596 : i32
        %convert_element_type3A_598 = arith.extui %ge3A_597 : i1 to i32
        %cond3A_599 = arith.constant 0 : i32
        %cond3A_600 = arith.cmpi ne, %convert_element_type3A_598, %cond3A_599 : i32
        scf.if %cond3A_600 {
          %dma_start3A_614 = tpu.memref_slice %arg7[%mul3A_595] : memref<25616xi32, #tpu.memory_space<vmem>> -> memref<128xi32, #tpu.memory_space<vmem>>
          %dma_start3A_615 = arith.constant 0 : i32
          %dma_start3A_616 = arith.constant 0 : i32
          %dma_start3A_617 = tpu.memref_slice %arg3[%dma_start3A_615, %dma_start3A_616] : memref<500000x64xf32, #tpu.memory_space<hbm>> -> memref<500000x64xf32, #tpu.memory_space<hbm>>
          tpu.enqueue_indirect_dma source(%dma_start3A_617 : memref<500000x64xf32, #tpu.memory_space<hbm>>) target(%arg10 : memref<128x64xf32, #tpu.memory_space<vmem>>) offsets(%dma_start3A_614 : memref<128xi32, #tpu.memory_space<vmem>>) semaphore(%arg15 : memref<!tpu.dma_semaphore, #tpu.memory_space<semaphore_mem>>)
        } else {
        }
        %le3A_601 = arith.constant 0 : i32
        %le3A_602 = arith.cmpi sle, %sub3A_593, %le3A_601 : i32
        %convert_element_type3A_603 = arith.extui %le3A_602 : i1 to i32
        %cond3A_604 = arith.constant 0 : i32
        %cond3A_605 = arith.cmpi ne, %convert_element_type3A_603, %cond3A_604 : i32
        scf.if %cond3A_605 {
          %dma_start3A_614 = tpu.memref_slice %arg7[%mul3A_595] : memref<25616xi32, #tpu.memory_space<vmem>> -> memref<128xi32, #tpu.memory_space<vmem>>
          %dma_start3A_615 = arith.constant 0 : i32
          %dma_start3A_616 = arith.constant 0 : i32
          %dma_start3A_617 = tpu.memref_slice %arg4[%dma_start3A_615, %dma_start3A_616] : memref<500000x64xf32, #tpu.memory_space<hbm>> -> memref<500000x64xf32, #tpu.memory_space<hbm>>
          tpu.enqueue_indirect_dma source(%dma_start3A_617 : memref<500000x64xf32, #tpu.memory_space<hbm>>) target(%arg10 : memref<128x64xf32, #tpu.memory_space<vmem>>) offsets(%dma_start3A_614 : memref<128xi32, #tpu.memory_space<vmem>>) semaphore(%arg15 : memref<!tpu.dma_semaphore, #tpu.memory_space<semaphore_mem>>)
        } else {
        }
        %gt3A_606 = arith.constant 0 : i32
        %gt3A_607 = arith.cmpi sgt, %sub3A_593, %gt3A_606 : i32
        %lt3A_608 = arith.constant 128 : i32
        %lt3A_609 = arith.cmpi slt, %sub3A_593, %lt3A_608 : i32
        %and3A_610 = arith.andi %gt3A_607, %lt3A_609 : i1
        %convert_element_type3A_611 = arith.extui %and3A_610 : i1 to i32
        %cond3A_612 = arith.constant 0 : i32
        %cond3A_613 = arith.cmpi ne, %convert_element_type3A_611, %cond3A_612 : i32
        scf.if %cond3A_613 {
          %dma_start3A_614 = tpu.memref_slice %arg7[%mul3A_595] : memref<25616xi32, #tpu.memory_space<vmem>> -> memref<128xi32, #tpu.memory_space<vmem>>
          %dma_start3A_615 = arith.constant 0 : i32
          %dma_start3A_616 = arith.constant 0 : i32
          %dma_start3A_617 = tpu.memref_slice %arg3[%dma_start3A_615, %dma_start3A_616] : memref<500000x64xf32, #tpu.memory_space<hbm>> -> memref<500000x64xf32, #tpu.memory_space<hbm>>
          tpu.enqueue_indirect_dma source(%dma_start3A_617 : memref<500000x64xf32, #tpu.memory_space<hbm>>) target(%arg10 : memref<128x64xf32, #tpu.memory_space<vmem>>) offsets(%dma_start3A_614 : memref<128xi32, #tpu.memory_space<vmem>>) semaphore(%arg15 : memref<!tpu.dma_semaphore, #tpu.memory_space<semaphore_mem>>)
          %dma_start3A_618 = tpu.memref_slice %arg7[%mul3A_595] : memref<25616xi32, #tpu.memory_space<vmem>> -> memref<128xi32, #tpu.memory_space<vmem>>
          %dma_start3A_619 = arith.constant 0 : i32
          %dma_start3A_620 = arith.constant 0 : i32
          %dma_start3A_621 = tpu.memref_slice %arg4[%dma_start3A_619, %dma_start3A_620] : memref<500000x64xf32, #tpu.memory_space<hbm>> -> memref<500000x64xf32, #tpu.memory_space<hbm>>
          tpu.enqueue_indirect_dma source(%dma_start3A_621 : memref<500000x64xf32, #tpu.memory_space<hbm>>) target(%arg14 : memref<128x64xf32, #tpu.memory_space<vmem>>) offsets(%dma_start3A_618 : memref<128xi32, #tpu.memory_space<vmem>>) semaphore(%arg23 : memref<!tpu.dma_semaphore, #tpu.memory_space<semaphore_mem>>)
        } else {
        }
      } else {
      }
      %mul3A_231 = arith.constant 128 : i32
      %mul3A_232 = arith.muli %add3A_212, %mul3A_231 : i32
      %sub3A_233 = arith.subi %scan3A_8#0, %mul3A_232 : i32
      %mul3A_234 = arith.constant 128 : i32
      %mul3A_235 = arith.muli %add3A_212, %mul3A_234 : i32
      %dma_wait3A_236 = tpu.memref_slice %arg7[%mul3A_235] : memref<25616xi32, #tpu.memory_space<vmem>> -> memref<128xi32, #tpu.memory_space<vmem>>
      %dma_wait3A_237 = arith.constant 0 : i32
      %dma_wait3A_238 = arith.constant 0 : i32
      %dma_wait3A_239 = tpu.memref_slice %arg3[%dma_wait3A_237, %dma_wait3A_238] : memref<500000x64xf32, #tpu.memory_space<hbm>> -> memref<500000x64xf32, #tpu.memory_space<hbm>>
      tpu.wait_indirect_dma semaphore(%arg16 : memref<!tpu.dma_semaphore, #tpu.memory_space<semaphore_mem>>) src(%dma_wait3A_239 : memref<500000x64xf32, #tpu.memory_space<hbm>>) dst(%arg11 : memref<128x64xf32, #tpu.memory_space<vmem>>)
      %gt3A_240 = arith.constant 0 : i32
      %gt3A_241 = arith.cmpi sgt, %sub3A_233, %gt3A_240 : i32
      %lt3A_242 = arith.constant 128 : i32
      %lt3A_243 = arith.cmpi slt, %sub3A_233, %lt3A_242 : i32
      %and3A_244 = arith.andi %gt3A_241, %lt3A_243 : i1
      %convert_element_type3A_245 = arith.extui %and3A_244 : i1 to i32
      %cond3A_246 = arith.constant 0 : i32
      %cond3A_247 = arith.cmpi ne, %convert_element_type3A_245, %cond3A_246 : i32
      scf.if %cond3A_247 {
        %mul3A_587 = arith.constant 128 : i32
        %mul3A_588 = arith.muli %add3A_212, %mul3A_587 : i32
        %dma_wait3A_589 = tpu.memref_slice %arg7[%mul3A_588] : memref<25616xi32, #tpu.memory_space<vmem>> -> memref<128xi32, #tpu.memory_space<vmem>>
        %dma_wait3A_590 = arith.constant 0 : i32
        %dma_wait3A_591 = arith.constant 0 : i32
        %dma_wait3A_592 = tpu.memref_slice %arg4[%dma_wait3A_590, %dma_wait3A_591] : memref<500000x64xf32, #tpu.memory_space<hbm>> -> memref<500000x64xf32, #tpu.memory_space<hbm>>
        tpu.wait_indirect_dma semaphore(%arg23 : memref<!tpu.dma_semaphore, #tpu.memory_space<semaphore_mem>>) src(%dma_wait3A_592 : memref<500000x64xf32, #tpu.memory_space<hbm>>) dst(%arg14 : memref<128x64xf32, #tpu.memory_space<vmem>>)
        %scan3A_593 = arith.constant 0 : i32
        %scan3A_594 = arith.constant 0 : i32
        %scan3A_595 = arith.constant 128 : i32
        %scan3A_596 = arith.addi %scan3A_594, %scan3A_595 : i32
        %scan3A_597 = arith.constant 1 : i32
        scf.for %scan3A_599 = %scan3A_594 to %scan3A_596 step %scan3A_597  : i32 {
          %ge3A_600 = arith.cmpi sge, %scan3A_599, %sub3A_233 : i32
          %convert_element_type3A_601 = arith.extui %ge3A_600 : i1 to i32
          %cond3A_602 = arith.constant 0 : i32
          %cond3A_603 = arith.cmpi ne, %convert_element_type3A_601, %cond3A_602 : i32
          scf.if %cond3A_603 {
            %get3A_604 = arith.index_cast %scan3A_599 : i32 to index
            %get3A_605 = arith.constant 0 : index
            %get3A_606 = tpu.vector_load %arg14[%get3A_604, %get3A_605] {strides = array<i32>} : memref<128x64xf32, #tpu.memory_space<vmem>>, vector<16xf32>,
            %swap3A_607 = arith.index_cast %scan3A_599 : i32 to index
            %swap3A_608 = arith.constant 0 : index
            %swap3A_609 = tpu.vector_load %arg11[%swap3A_607, %swap3A_608] {strides = array<i32>} : memref<128x64xf32, #tpu.memory_space<vmem>>, vector<16xf32>,
            tpu.vector_store %arg11[%swap3A_607, %swap3A_608], %get3A_606 {strides = array<i32>} : memref<128x64xf32, #tpu.memory_space<vmem>>, vector<16xf32>,
            %get3A_610 = arith.index_cast %scan3A_599 : i32 to index
            %get3A_611 = arith.constant 16 : index
            %get3A_612 = tpu.vector_load %arg14[%get3A_610, %get3A_611] {strides = array<i32>} : memref<128x64xf32, #tpu.memory_space<vmem>>, vector<16xf32>,
            %swap3A_613 = arith.index_cast %scan3A_599 : i32 to index
            %swap3A_614 = arith.constant 16 : index
            %swap3A_615 = tpu.vector_load %arg11[%swap3A_613, %swap3A_614] {strides = array<i32>} : memref<128x64xf32, #tpu.memory_space<vmem>>, vector<16xf32>,
            tpu.vector_store %arg11[%swap3A_613, %swap3A_614], %get3A_612 {strides = array<i32>} : memref<128x64xf32, #tpu.memory_space<vmem>>, vector<16xf32>,
            %get3A_616 = arith.index_cast %scan3A_599 : i32 to index
            %get3A_617 = arith.constant 32 : index
            %get3A_618 = tpu.vector_load %arg14[%get3A_616, %get3A_617] {strides = array<i32>} : memref<128x64xf32, #tpu.memory_space<vmem>>, vector<16xf32>,
            %swap3A_619 = arith.index_cast %scan3A_599 : i32 to index
            %swap3A_620 = arith.constant 32 : index
            %swap3A_621 = tpu.vector_load %arg11[%swap3A_619, %swap3A_620] {strides = array<i32>} : memref<128x64xf32, #tpu.memory_space<vmem>>, vector<16xf32>,
            tpu.vector_store %arg11[%swap3A_619, %swap3A_620], %get3A_618 {strides = array<i32>} : memref<128x64xf32, #tpu.memory_space<vmem>>, vector<16xf32>,
            %get3A_622 = arith.index_cast %scan3A_599 : i32 to index
            %get3A_623 = arith.constant 48 : index
            %get3A_624 = tpu.vector_load %arg14[%get3A_622, %get3A_623] {strides = array<i32>} : memref<128x64xf32, #tpu.memory_space<vmem>>, vector<16xf32>,
            %swap3A_625 = arith.index_cast %scan3A_599 : i32 to index
            %swap3A_626 = arith.constant 48 : index
            %swap3A_627 = tpu.vector_load %arg11[%swap3A_625, %swap3A_626] {strides = array<i32>} : memref<128x64xf32, #tpu.memory_space<vmem>>, vector<16xf32>,
            tpu.vector_store %arg11[%swap3A_625, %swap3A_626], %get3A_624 {strides = array<i32>} : memref<128x64xf32, #tpu.memory_space<vmem>>, vector<16xf32>,
          } else {
          }
        }
        %scan3A_598 = arith.constant 128 : i32
      } else {
      }
      %mul3A_248 = arith.constant 128 : i32
      %mul3A_249 = arith.muli %add3A_212, %mul3A_248 : i32
      %add3A_250 = arith.constant 0 : i32
      %add3A_251 = arith.addi %mul3A_249, %add3A_250 : i32
      %get3A_252 = arith.index_cast %add3A_251 : i32 to index
      %get3A_253 = tpu.vector_load %arg8[%get3A_252] {strides = array<i32>} : memref<25616xi32, #tpu.memory_space<vmem>>, vector<16xi32>,
      %swap3A_254 = arith.constant 1 : i32
      %swap3A_255 = arith.index_cast %swap3A_254 : i32 to index
      %swap3A_256 = arith.constant 0 : index
      %swap3A_257 = tpu.vector_load %arg9[%swap3A_255, %swap3A_256] {strides = array<i32>} : memref<4x128xi32, #tpu.memory_space<vmem>>, vector<16xi32>,
      tpu.vector_store %arg9[%swap3A_255, %swap3A_256], %get3A_253 {strides = array<i32>} : memref<4x128xi32, #tpu.memory_space<vmem>>, vector<16xi32>,
      %mul3A_258 = arith.constant 128 : i32
      %mul3A_259 = arith.muli %add3A_212, %mul3A_258 : i32
      %add3A_260 = arith.constant 16 : i32
      %add3A_261 = arith.addi %mul3A_259, %add3A_260 : i32
      %get3A_262 = arith.index_cast %add3A_261 : i32 to index
      %get3A_263 = tpu.vector_load %arg8[%get3A_262] {strides = array<i32>} : memref<25616xi32, #tpu.memory_space<vmem>>, vector<16xi32>,
      %swap3A_264 = arith.constant 1 : i32
      %swap3A_265 = arith.index_cast %swap3A_264 : i32 to index
      %swap3A_266 = arith.constant 16 : index
      %swap3A_267 = tpu.vector_load %arg9[%swap3A_265, %swap3A_266] {strides = array<i32>} : memref<4x128xi32, #tpu.memory_space<vmem>>, vector<16xi32>,
      tpu.vector_store %arg9[%swap3A_265, %swap3A_266], %get3A_263 {strides = array<i32>} : memref<4x128xi32, #tpu.memory_space<vmem>>, vector<16xi32>,
      %mul3A_268 = arith.constant 128 : i32
      %mul3A_269 = arith.muli %add3A_212, %mul3A_268 : i32
      %add3A_270 = arith.constant 32 : i32
      %add3A_271 = arith.addi %mul3A_269, %add3A_270 : i32
      %get3A_272 = arith.index_cast %add3A_271 : i32 to index
      %get3A_273 = tpu.vector_load %arg8[%get3A_272] {strides = array<i32>} : memref<25616xi32, #tpu.memory_space<vmem>>, vector<16xi32>,
      %swap3A_274 = arith.constant 1 : i32
      %swap3A_275 = arith.index_cast %swap3A_274 : i32 to index
      %swap3A_276 = arith.constant 32 : index
      %swap3A_277 = tpu.vector_load %arg9[%swap3A_275, %swap3A_276] {strides = array<i32>} : memref<4x128xi32, #tpu.memory_space<vmem>>, vector<16xi32>,
      tpu.vector_store %arg9[%swap3A_275, %swap3A_276], %get3A_273 {strides = array<i32>} : memref<4x128xi32, #tpu.memory_space<vmem>>, vector<16xi32>,
      %mul3A_278 = arith.constant 128 : i32
      %mul3A_279 = arith.muli %add3A_212, %mul3A_278 : i32
      %add3A_280 = arith.constant 48 : i32
      %add3A_281 = arith.addi %mul3A_279, %add3A_280 : i32
      %get3A_282 = arith.index_cast %add3A_281 : i32 to index
      %get3A_283 = tpu.vector_load %arg8[%get3A_282] {strides = array<i32>} : memref<25616xi32, #tpu.memory_space<vmem>>, vector<16xi32>,
      %swap3A_284 = arith.constant 1 : i32
      %swap3A_285 = arith.index_cast %swap3A_284 : i32 to index
      %swap3A_286 = arith.constant 48 : index
      %swap3A_287 = tpu.vector_load %arg9[%swap3A_285, %swap3A_286] {strides = array<i32>} : memref<4x128xi32, #tpu.memory_space<vmem>>, vector<16xi32>,
      tpu.vector_store %arg9[%swap3A_285, %swap3A_286], %get3A_283 {strides = array<i32>} : memref<4x128xi32, #tpu.memory_space<vmem>>, vector<16xi32>,
      %mul3A_288 = arith.constant 128 : i32
      %mul3A_289 = arith.muli %add3A_212, %mul3A_288 : i32
      %add3A_290 = arith.constant 64 : i32
      %add3A_291 = arith.addi %mul3A_289, %add3A_290 : i32
      %get3A_292 = arith.index_cast %add3A_291 : i32 to index
      %get3A_293 = tpu.vector_load %arg8[%get3A_292] {strides = array<i32>} : memref<25616xi32, #tpu.memory_space<vmem>>, vector<16xi32>,
      %swap3A_294 = arith.constant 1 : i32
      %swap3A_295 = arith.index_cast %swap3A_294 : i32 to index
      %swap3A_296 = arith.constant 64 : index
      %swap3A_297 = tpu.vector_load %arg9[%swap3A_295, %swap3A_296] {strides = array<i32>} : memref<4x128xi32, #tpu.memory_space<vmem>>, vector<16xi32>,
      tpu.vector_store %arg9[%swap3A_295, %swap3A_296], %get3A_293 {strides = array<i32>} : memref<4x128xi32, #tpu.memory_space<vmem>>, vector<16xi32>,
      %mul3A_298 = arith.constant 128 : i32
      %mul3A_299 = arith.muli %add3A_212, %mul3A_298 : i32
      %add3A_300 = arith.constant 80 : i32
      %add3A_301 = arith.addi %mul3A_299, %add3A_300 : i32
      %get3A_302 = arith.index_cast %add3A_301 : i32 to index
      %get3A_303 = tpu.vector_load %arg8[%get3A_302] {strides = array<i32>} : memref<25616xi32, #tpu.memory_space<vmem>>, vector<16xi32>,
      %swap3A_304 = arith.constant 1 : i32
      %swap3A_305 = arith.index_cast %swap3A_304 : i32 to index
      %swap3A_306 = arith.constant 80 : index
      %swap3A_307 = tpu.vector_load %arg9[%swap3A_305, %swap3A_306] {strides = array<i32>} : memref<4x128xi32, #tpu.memory_space<vmem>>, vector<16xi32>,
      tpu.vector_store %arg9[%swap3A_305, %swap3A_306], %get3A_303 {strides = array<i32>} : memref<4x128xi32, #tpu.memory_space<vmem>>, vector<16xi32>,
      %mul3A_308 = arith.constant 128 : i32
      %mul3A_309 = arith.muli %add3A_212, %mul3A_308 : i32
      %add3A_310 = arith.constant 96 : i32
      %add3A_311 = arith.addi %mul3A_309, %add3A_310 : i32
      %get3A_312 = arith.index_cast %add3A_311 : i32 to index
      %get3A_313 = tpu.vector_load %arg8[%get3A_312] {strides = array<i32>} : memref<25616xi32, #tpu.memory_space<vmem>>, vector<16xi32>,
      %swap3A_314 = arith.constant 1 : i32
      %swap3A_315 = arith.index_cast %swap3A_314 : i32 to index
      %swap3A_316 = arith.constant 96 : index
      %swap3A_317 = tpu.vector_load %arg9[%swap3A_315, %swap3A_316] {strides = array<i32>} : memref<4x128xi32, #tpu.memory_space<vmem>>, vector<16xi32>,
      tpu.vector_store %arg9[%swap3A_315, %swap3A_316], %get3A_313 {strides = array<i32>} : memref<4x128xi32, #tpu.memory_space<vmem>>, vector<16xi32>,
      %mul3A_318 = arith.constant 128 : i32
      %mul3A_319 = arith.muli %add3A_212, %mul3A_318 : i32
      %add3A_320 = arith.constant 112 : i32
      %add3A_321 = arith.addi %mul3A_319, %add3A_320 : i32
      %get3A_322 = arith.index_cast %add3A_321 : i32 to index
      %get3A_323 = tpu.vector_load %arg8[%get3A_322] {strides = array<i32>} : memref<25616xi32, #tpu.memory_space<vmem>>, vector<16xi32>,
      %swap3A_324 = arith.constant 1 : i32
      %swap3A_325 = arith.index_cast %swap3A_324 : i32 to index
      %swap3A_326 = arith.constant 112 : index
      %swap3A_327 = tpu.vector_load %arg9[%swap3A_325, %swap3A_326] {strides = array<i32>} : memref<4x128xi32, #tpu.memory_space<vmem>>, vector<16xi32>,
      tpu.vector_store %arg9[%swap3A_325, %swap3A_326], %get3A_323 {strides = array<i32>} : memref<4x128xi32, #tpu.memory_space<vmem>>, vector<16xi32>,
      %dma_start3A_328 = arith.constant 1 : i32
      %dma_start3A_329 = arith.constant 0 : i32
      %dma_start3A_330 = tpu.memref_slice %arg9[%dma_start3A_328, %dma_start3A_329] : memref<4x128xi32, #tpu.memory_space<vmem>> -> memref<1x128xi32, #tpu.memory_space<vmem>>
      %dma_start3A_331 = tpu.memref_squeeze %dma_start3A_330 : memref<1x128xi32, #tpu.memory_space<vmem>> -> memref<128xi32, #tpu.memory_space<vmem>>
      %dma_start3A_332 = arith.constant 0 : i32
      %dma_start3A_333 = arith.constant 0 : i32
      %dma_start3A_334 = tpu.memref_slice %arg5[%dma_start3A_332, %dma_start3A_333] : memref<819200x64xf32, #tpu.memory_space<hbm>> -> memref<819200x64xf32, #tpu.memory_space<hbm>>
      tpu.enqueue_indirect_dma source(%arg11 : memref<128x64xf32, #tpu.memory_space<vmem>>) target(%dma_start3A_334 : memref<819200x64xf32, #tpu.memory_space<hbm>>) offsets(%dma_start3A_331 : memref<128xi32, #tpu.memory_space<vmem>>) semaphore(%arg20 : memref<!tpu.dma_semaphore, #tpu.memory_space<semaphore_mem>>)
      %mul3A_335 = arith.constant 4 : i32
      %mul3A_336 = arith.muli %scan3A_89, %mul3A_335 : i32
      %add3A_337 = arith.constant 2 : i32
      %add3A_338 = arith.addi %mul3A_336, %add3A_337 : i32
      %sub3A_339 = arith.constant 1 : i32
      %sub3A_340 = arith.subi %add3A_338, %sub3A_339 : i32
      %dma_wait3A_341 = arith.constant 1 : i32
      %dma_wait3A_342 = arith.constant 0 : i32
      %dma_wait3A_343 = tpu.memref_slice %arg9[%dma_wait3A_341, %dma_wait3A_342] : memref<4x128xi32, #tpu.memory_space<vmem>> -> memref<1x128xi32, #tpu.memory_space<vmem>>
      %dma_wait3A_344 = tpu.memref_squeeze %dma_wait3A_343 : memref<1x128xi32, #tpu.memory_space<vmem>> -> memref<128xi32, #tpu.memory_space<vmem>>
      %dma_wait3A_345 = arith.constant 0 : i32
      %dma_wait3A_346 = arith.constant 0 : i32
      %dma_wait3A_347 = tpu.memref_slice %arg5[%dma_wait3A_345, %dma_wait3A_346] : memref<819200x64xf32, #tpu.memory_space<hbm>> -> memref<819200x64xf32, #tpu.memory_space<hbm>>
      tpu.wait_indirect_dma semaphore(%arg20 : memref<!tpu.dma_semaphore, #tpu.memory_space<semaphore_mem>>) src(%arg11 : memref<128x64xf32, #tpu.memory_space<vmem>>) dst(%dma_wait3A_347 : memref<819200x64xf32, #tpu.memory_space<hbm>>)
      %add3A_348 = arith.constant 4 : i32
      %add3A_349 = arith.addi %add3A_338, %add3A_348 : i32
      %sub3A_350 = arith.constant 1 : i32
      %sub3A_351 = arith.subi %add3A_349, %sub3A_350 : i32
      %lt3A_352 = arith.constant 200 : i32
      %lt3A_353 = arith.cmpi slt, %sub3A_351, %lt3A_352 : i32
      %convert_element_type3A_354 = arith.extui %lt3A_353 : i1 to i32
      %cond3A_355 = arith.constant 0 : i32
      %cond3A_356 = arith.cmpi ne, %convert_element_type3A_354, %cond3A_355 : i32
      scf.if %cond3A_356 {
        %add3A_587 = arith.constant 4 : i32
        %add3A_588 = arith.addi %add3A_338, %add3A_587 : i32
        %sub3A_589 = arith.constant 1 : i32
        %sub3A_590 = arith.subi %add3A_588, %sub3A_589 : i32
        %mul3A_591 = arith.constant 128 : i32
        %mul3A_592 = arith.muli %sub3A_590, %mul3A_591 : i32
        %sub3A_593 = arith.subi %scan3A_8#0, %mul3A_592 : i32
        %mul3A_594 = arith.constant 128 : i32
        %mul3A_595 = arith.muli %sub3A_590, %mul3A_594 : i32
        %ge3A_596 = arith.constant 128 : i32
        %ge3A_597 = arith.cmpi sge, %sub3A_593, %ge3A_596 : i32
        %convert_element_type3A_598 = arith.extui %ge3A_597 : i1 to i32
        %cond3A_599 = arith.constant 0 : i32
        %cond3A_600 = arith.cmpi ne, %convert_element_type3A_598, %cond3A_599 : i32
        scf.if %cond3A_600 {
          %dma_start3A_614 = tpu.memref_slice %arg7[%mul3A_595] : memref<25616xi32, #tpu.memory_space<vmem>> -> memref<128xi32, #tpu.memory_space<vmem>>
          %dma_start3A_615 = arith.constant 0 : i32
          %dma_start3A_616 = arith.constant 0 : i32
          %dma_start3A_617 = tpu.memref_slice %arg3[%dma_start3A_615, %dma_start3A_616] : memref<500000x64xf32, #tpu.memory_space<hbm>> -> memref<500000x64xf32, #tpu.memory_space<hbm>>
          tpu.enqueue_indirect_dma source(%dma_start3A_617 : memref<500000x64xf32, #tpu.memory_space<hbm>>) target(%arg11 : memref<128x64xf32, #tpu.memory_space<vmem>>) offsets(%dma_start3A_614 : memref<128xi32, #tpu.memory_space<vmem>>) semaphore(%arg16 : memref<!tpu.dma_semaphore, #tpu.memory_space<semaphore_mem>>)
        } else {
        }
        %le3A_601 = arith.constant 0 : i32
        %le3A_602 = arith.cmpi sle, %sub3A_593, %le3A_601 : i32
        %convert_element_type3A_603 = arith.extui %le3A_602 : i1 to i32
        %cond3A_604 = arith.constant 0 : i32
        %cond3A_605 = arith.cmpi ne, %convert_element_type3A_603, %cond3A_604 : i32
        scf.if %cond3A_605 {
          %dma_start3A_614 = tpu.memref_slice %arg7[%mul3A_595] : memref<25616xi32, #tpu.memory_space<vmem>> -> memref<128xi32, #tpu.memory_space<vmem>>
          %dma_start3A_615 = arith.constant 0 : i32
          %dma_start3A_616 = arith.constant 0 : i32
          %dma_start3A_617 = tpu.memref_slice %arg4[%dma_start3A_615, %dma_start3A_616] : memref<500000x64xf32, #tpu.memory_space<hbm>> -> memref<500000x64xf32, #tpu.memory_space<hbm>>
          tpu.enqueue_indirect_dma source(%dma_start3A_617 : memref<500000x64xf32, #tpu.memory_space<hbm>>) target(%arg11 : memref<128x64xf32, #tpu.memory_space<vmem>>) offsets(%dma_start3A_614 : memref<128xi32, #tpu.memory_space<vmem>>) semaphore(%arg16 : memref<!tpu.dma_semaphore, #tpu.memory_space<semaphore_mem>>)
        } else {
        }
        %gt3A_606 = arith.constant 0 : i32
        %gt3A_607 = arith.cmpi sgt, %sub3A_593, %gt3A_606 : i32
        %lt3A_608 = arith.constant 128 : i32
        %lt3A_609 = arith.cmpi slt, %sub3A_593, %lt3A_608 : i32
        %and3A_610 = arith.andi %gt3A_607, %lt3A_609 : i1
        %convert_element_type3A_611 = arith.extui %and3A_610 : i1 to i32
        %cond3A_612 = arith.constant 0 : i32
        %cond3A_613 = arith.cmpi ne, %convert_element_type3A_611, %cond3A_612 : i32
        scf.if %cond3A_613 {
          %dma_start3A_614 = tpu.memref_slice %arg7[%mul3A_595] : memref<25616xi32, #tpu.memory_space<vmem>> -> memref<128xi32, #tpu.memory_space<vmem>>
          %dma_start3A_615 = arith.constant 0 : i32
          %dma_start3A_616 = arith.constant 0 : i32
          %dma_start3A_617 = tpu.memref_slice %arg3[%dma_start3A_615, %dma_start3A_616] : memref<500000x64xf32, #tpu.memory_space<hbm>> -> memref<500000x64xf32, #tpu.memory_space<hbm>>
          tpu.enqueue_indirect_dma source(%dma_start3A_617 : memref<500000x64xf32, #tpu.memory_space<hbm>>) target(%arg11 : memref<128x64xf32, #tpu.memory_space<vmem>>) offsets(%dma_start3A_614 : memref<128xi32, #tpu.memory_space<vmem>>) semaphore(%arg16 : memref<!tpu.dma_semaphore, #tpu.memory_space<semaphore_mem>>)
          %dma_start3A_618 = tpu.memref_slice %arg7[%mul3A_595] : memref<25616xi32, #tpu.memory_space<vmem>> -> memref<128xi32, #tpu.memory_space<vmem>>
          %dma_start3A_619 = arith.constant 0 : i32
          %dma_start3A_620 = arith.constant 0 : i32
          %dma_start3A_621 = tpu.memref_slice %arg4[%dma_start3A_619, %dma_start3A_620] : memref<500000x64xf32, #tpu.memory_space<hbm>> -> memref<500000x64xf32, #tpu.memory_space<hbm>>
          tpu.enqueue_indirect_dma source(%dma_start3A_621 : memref<500000x64xf32, #tpu.memory_space<hbm>>) target(%arg14 : memref<128x64xf32, #tpu.memory_space<vmem>>) offsets(%dma_start3A_618 : memref<128xi32, #tpu.memory_space<vmem>>) semaphore(%arg23 : memref<!tpu.dma_semaphore, #tpu.memory_space<semaphore_mem>>)
        } else {
        }
      } else {
      }
      %mul3A_357 = arith.constant 128 : i32
      %mul3A_358 = arith.muli %add3A_338, %mul3A_357 : i32
      %sub3A_359 = arith.subi %scan3A_8#0, %mul3A_358 : i32
      %mul3A_360 = arith.constant 128 : i32
      %mul3A_361 = arith.muli %add3A_338, %mul3A_360 : i32
      %dma_wait3A_362 = tpu.memref_slice %arg7[%mul3A_361] : memref<25616xi32, #tpu.memory_space<vmem>> -> memref<128xi32, #tpu.memory_space<vmem>>
      %dma_wait3A_363 = arith.constant 0 : i32
      %dma_wait3A_364 = arith.constant 0 : i32
      %dma_wait3A_365 = tpu.memref_slice %arg3[%dma_wait3A_363, %dma_wait3A_364] : memref<500000x64xf32, #tpu.memory_space<hbm>> -> memref<500000x64xf32, #tpu.memory_space<hbm>>
      tpu.wait_indirect_dma semaphore(%arg17 : memref<!tpu.dma_semaphore, #tpu.memory_space<semaphore_mem>>) src(%dma_wait3A_365 : memref<500000x64xf32, #tpu.memory_space<hbm>>) dst(%arg12 : memref<128x64xf32, #tpu.memory_space<vmem>>)
      %gt3A_366 = arith.constant 0 : i32
      %gt3A_367 = arith.cmpi sgt, %sub3A_359, %gt3A_366 : i32
      %lt3A_368 = arith.constant 128 : i32
      %lt3A_369 = arith.cmpi slt, %sub3A_359, %lt3A_368 : i32
      %and3A_370 = arith.andi %gt3A_367, %lt3A_369 : i1
      %convert_element_type3A_371 = arith.extui %and3A_370 : i1 to i32
      %cond3A_372 = arith.constant 0 : i32
      %cond3A_373 = arith.cmpi ne, %convert_element_type3A_371, %cond3A_372 : i32
      scf.if %cond3A_373 {
        %mul3A_587 = arith.constant 128 : i32
        %mul3A_588 = arith.muli %add3A_338, %mul3A_587 : i32
        %dma_wait3A_589 = tpu.memref_slice %arg7[%mul3A_588] : memref<25616xi32, #tpu.memory_space<vmem>> -> memref<128xi32, #tpu.memory_space<vmem>>
        %dma_wait3A_590 = arith.constant 0 : i32
        %dma_wait3A_591 = arith.constant 0 : i32
        %dma_wait3A_592 = tpu.memref_slice %arg4[%dma_wait3A_590, %dma_wait3A_591] : memref<500000x64xf32, #tpu.memory_space<hbm>> -> memref<500000x64xf32, #tpu.memory_space<hbm>>
        tpu.wait_indirect_dma semaphore(%arg23 : memref<!tpu.dma_semaphore, #tpu.memory_space<semaphore_mem>>) src(%dma_wait3A_592 : memref<500000x64xf32, #tpu.memory_space<hbm>>) dst(%arg14 : memref<128x64xf32, #tpu.memory_space<vmem>>)
        %scan3A_593 = arith.constant 0 : i32
        %scan3A_594 = arith.constant 0 : i32
        %scan3A_595 = arith.constant 128 : i32
        %scan3A_596 = arith.addi %scan3A_594, %scan3A_595 : i32
        %scan3A_597 = arith.constant 1 : i32
        scf.for %scan3A_599 = %scan3A_594 to %scan3A_596 step %scan3A_597  : i32 {
          %ge3A_600 = arith.cmpi sge, %scan3A_599, %sub3A_359 : i32
          %convert_element_type3A_601 = arith.extui %ge3A_600 : i1 to i32
          %cond3A_602 = arith.constant 0 : i32
          %cond3A_603 = arith.cmpi ne, %convert_element_type3A_601, %cond3A_602 : i32
          scf.if %cond3A_603 {
            %get3A_604 = arith.index_cast %scan3A_599 : i32 to index
            %get3A_605 = arith.constant 0 : index
            %get3A_606 = tpu.vector_load %arg14[%get3A_604, %get3A_605] {strides = array<i32>} : memref<128x64xf32, #tpu.memory_space<vmem>>, vector<16xf32>,
            %swap3A_607 = arith.index_cast %scan3A_599 : i32 to index
            %swap3A_608 = arith.constant 0 : index
            %swap3A_609 = tpu.vector_load %arg12[%swap3A_607, %swap3A_608] {strides = array<i32>} : memref<128x64xf32, #tpu.memory_space<vmem>>, vector<16xf32>,
            tpu.vector_store %arg12[%swap3A_607, %swap3A_608], %get3A_606 {strides = array<i32>} : memref<128x64xf32, #tpu.memory_space<vmem>>, vector<16xf32>,
            %get3A_610 = arith.index_cast %scan3A_599 : i32 to index
            %get3A_611 = arith.constant 16 : index
            %get3A_612 = tpu.vector_load %arg14[%get3A_610, %get3A_611] {strides = array<i32>} : memref<128x64xf32, #tpu.memory_space<vmem>>, vector<16xf32>,
            %swap3A_613 = arith.index_cast %scan3A_599 : i32 to index
            %swap3A_614 = arith.constant 16 : index
            %swap3A_615 = tpu.vector_load %arg12[%swap3A_613, %swap3A_614] {strides = array<i32>} : memref<128x64xf32, #tpu.memory_space<vmem>>, vector<16xf32>,
            tpu.vector_store %arg12[%swap3A_613, %swap3A_614], %get3A_612 {strides = array<i32>} : memref<128x64xf32, #tpu.memory_space<vmem>>, vector<16xf32>,
            %get3A_616 = arith.index_cast %scan3A_599 : i32 to index
            %get3A_617 = arith.constant 32 : index
            %get3A_618 = tpu.vector_load %arg14[%get3A_616, %get3A_617] {strides = array<i32>} : memref<128x64xf32, #tpu.memory_space<vmem>>, vector<16xf32>,
            %swap3A_619 = arith.index_cast %scan3A_599 : i32 to index
            %swap3A_620 = arith.constant 32 : index
            %swap3A_621 = tpu.vector_load %arg12[%swap3A_619, %swap3A_620] {strides = array<i32>} : memref<128x64xf32, #tpu.memory_space<vmem>>, vector<16xf32>,
            tpu.vector_store %arg12[%swap3A_619, %swap3A_620], %get3A_618 {strides = array<i32>} : memref<128x64xf32, #tpu.memory_space<vmem>>, vector<16xf32>,
            %get3A_622 = arith.index_cast %scan3A_599 : i32 to index
            %get3A_623 = arith.constant 48 : index
            %get3A_624 = tpu.vector_load %arg14[%get3A_622, %get3A_623] {strides = array<i32>} : memref<128x64xf32, #tpu.memory_space<vmem>>, vector<16xf32>,
            %swap3A_625 = arith.index_cast %scan3A_599 : i32 to index
            %swap3A_626 = arith.constant 48 : index
            %swap3A_627 = tpu.vector_load %arg12[%swap3A_625, %swap3A_626] {strides = array<i32>} : memref<128x64xf32, #tpu.memory_space<vmem>>, vector<16xf32>,
            tpu.vector_store %arg12[%swap3A_625, %swap3A_626], %get3A_624 {strides = array<i32>} : memref<128x64xf32, #tpu.memory_space<vmem>>, vector<16xf32>,
          } else {
          }
        }
        %scan3A_598 = arith.constant 128 : i32
      } else {
      }
      %mul3A_374 = arith.constant 128 : i32
      %mul3A_375 = arith.muli %add3A_338, %mul3A_374 : i32
      %add3A_376 = arith.constant 0 : i32
      %add3A_377 = arith.addi %mul3A_375, %add3A_376 : i32
      %get3A_378 = arith.index_cast %add3A_377 : i32 to index
      %get3A_379 = tpu.vector_load %arg8[%get3A_378] {strides = array<i32>} : memref<25616xi32, #tpu.memory_space<vmem>>, vector<16xi32>,
      %swap3A_380 = arith.constant 2 : i32
      %swap3A_381 = arith.index_cast %swap3A_380 : i32 to index
      %swap3A_382 = arith.constant 0 : index
      %swap3A_383 = tpu.vector_load %arg9[%swap3A_381, %swap3A_382] {strides = array<i32>} : memref<4x128xi32, #tpu.memory_space<vmem>>, vector<16xi32>,
      tpu.vector_store %arg9[%swap3A_381, %swap3A_382], %get3A_379 {strides = array<i32>} : memref<4x128xi32, #tpu.memory_space<vmem>>, vector<16xi32>,
      %mul3A_384 = arith.constant 128 : i32
      %mul3A_385 = arith.muli %add3A_338, %mul3A_384 : i32
      %add3A_386 = arith.constant 16 : i32
      %add3A_387 = arith.addi %mul3A_385, %add3A_386 : i32
      %get3A_388 = arith.index_cast %add3A_387 : i32 to index
      %get3A_389 = tpu.vector_load %arg8[%get3A_388] {strides = array<i32>} : memref<25616xi32, #tpu.memory_space<vmem>>, vector<16xi32>,
      %swap3A_390 = arith.constant 2 : i32
      %swap3A_391 = arith.index_cast %swap3A_390 : i32 to index
      %swap3A_392 = arith.constant 16 : index
      %swap3A_393 = tpu.vector_load %arg9[%swap3A_391, %swap3A_392] {strides = array<i32>} : memref<4x128xi32, #tpu.memory_space<vmem>>, vector<16xi32>,
      tpu.vector_store %arg9[%swap3A_391, %swap3A_392], %get3A_389 {strides = array<i32>} : memref<4x128xi32, #tpu.memory_space<vmem>>, vector<16xi32>,
      %mul3A_394 = arith.constant 128 : i32
      %mul3A_395 = arith.muli %add3A_338, %mul3A_394 : i32
      %add3A_396 = arith.constant 32 : i32
      %add3A_397 = arith.addi %mul3A_395, %add3A_396 : i32
      %get3A_398 = arith.index_cast %add3A_397 : i32 to index
      %get3A_399 = tpu.vector_load %arg8[%get3A_398] {strides = array<i32>} : memref<25616xi32, #tpu.memory_space<vmem>>, vector<16xi32>,
      %swap3A_400 = arith.constant 2 : i32
      %swap3A_401 = arith.index_cast %swap3A_400 : i32 to index
      %swap3A_402 = arith.constant 32 : index
      %swap3A_403 = tpu.vector_load %arg9[%swap3A_401, %swap3A_402] {strides = array<i32>} : memref<4x128xi32, #tpu.memory_space<vmem>>, vector<16xi32>,
      tpu.vector_store %arg9[%swap3A_401, %swap3A_402], %get3A_399 {strides = array<i32>} : memref<4x128xi32, #tpu.memory_space<vmem>>, vector<16xi32>,
      %mul3A_404 = arith.constant 128 : i32
      %mul3A_405 = arith.muli %add3A_338, %mul3A_404 : i32
      %add3A_406 = arith.constant 48 : i32
      %add3A_407 = arith.addi %mul3A_405, %add3A_406 : i32
      %get3A_408 = arith.index_cast %add3A_407 : i32 to index
      %get3A_409 = tpu.vector_load %arg8[%get3A_408] {strides = array<i32>} : memref<25616xi32, #tpu.memory_space<vmem>>, vector<16xi32>,
      %swap3A_410 = arith.constant 2 : i32
      %swap3A_411 = arith.index_cast %swap3A_410 : i32 to index
      %swap3A_412 = arith.constant 48 : index
      %swap3A_413 = tpu.vector_load %arg9[%swap3A_411, %swap3A_412] {strides = array<i32>} : memref<4x128xi32, #tpu.memory_space<vmem>>, vector<16xi32>,
      tpu.vector_store %arg9[%swap3A_411, %swap3A_412], %get3A_409 {strides = array<i32>} : memref<4x128xi32, #tpu.memory_space<vmem>>, vector<16xi32>,
      %mul3A_414 = arith.constant 128 : i32
      %mul3A_415 = arith.muli %add3A_338, %mul3A_414 : i32
      %add3A_416 = arith.constant 64 : i32
      %add3A_417 = arith.addi %mul3A_415, %add3A_416 : i32
      %get3A_418 = arith.index_cast %add3A_417 : i32 to index
      %get3A_419 = tpu.vector_load %arg8[%get3A_418] {strides = array<i32>} : memref<25616xi32, #tpu.memory_space<vmem>>, vector<16xi32>,
      %swap3A_420 = arith.constant 2 : i32
      %swap3A_421 = arith.index_cast %swap3A_420 : i32 to index
      %swap3A_422 = arith.constant 64 : index
      %swap3A_423 = tpu.vector_load %arg9[%swap3A_421, %swap3A_422] {strides = array<i32>} : memref<4x128xi32, #tpu.memory_space<vmem>>, vector<16xi32>,
      tpu.vector_store %arg9[%swap3A_421, %swap3A_422], %get3A_419 {strides = array<i32>} : memref<4x128xi32, #tpu.memory_space<vmem>>, vector<16xi32>,
      %mul3A_424 = arith.constant 128 : i32
      %mul3A_425 = arith.muli %add3A_338, %mul3A_424 : i32
      %add3A_426 = arith.constant 80 : i32
      %add3A_427 = arith.addi %mul3A_425, %add3A_426 : i32
      %get3A_428 = arith.index_cast %add3A_427 : i32 to index
      %get3A_429 = tpu.vector_load %arg8[%get3A_428] {strides = array<i32>} : memref<25616xi32, #tpu.memory_space<vmem>>, vector<16xi32>,
      %swap3A_430 = arith.constant 2 : i32
      %swap3A_431 = arith.index_cast %swap3A_430 : i32 to index
      %swap3A_432 = arith.constant 80 : index
      %swap3A_433 = tpu.vector_load %arg9[%swap3A_431, %swap3A_432] {strides = array<i32>} : memref<4x128xi32, #tpu.memory_space<vmem>>, vector<16xi32>,
      tpu.vector_store %arg9[%swap3A_431, %swap3A_432], %get3A_429 {strides = array<i32>} : memref<4x128xi32, #tpu.memory_space<vmem>>, vector<16xi32>,
      %mul3A_434 = arith.constant 128 : i32
      %mul3A_435 = arith.muli %add3A_338, %mul3A_434 : i32
      %add3A_436 = arith.constant 96 : i32
      %add3A_437 = arith.addi %mul3A_435, %add3A_436 : i32
      %get3A_438 = arith.index_cast %add3A_437 : i32 to index
      %get3A_439 = tpu.vector_load %arg8[%get3A_438] {strides = array<i32>} : memref<25616xi32, #tpu.memory_space<vmem>>, vector<16xi32>,
      %swap3A_440 = arith.constant 2 : i32
      %swap3A_441 = arith.index_cast %swap3A_440 : i32 to index
      %swap3A_442 = arith.constant 96 : index
      %swap3A_443 = tpu.vector_load %arg9[%swap3A_441, %swap3A_442] {strides = array<i32>} : memref<4x128xi32, #tpu.memory_space<vmem>>, vector<16xi32>,
      tpu.vector_store %arg9[%swap3A_441, %swap3A_442], %get3A_439 {strides = array<i32>} : memref<4x128xi32, #tpu.memory_space<vmem>>, vector<16xi32>,
      %mul3A_444 = arith.constant 128 : i32
      %mul3A_445 = arith.muli %add3A_338, %mul3A_444 : i32
      %add3A_446 = arith.constant 112 : i32
      %add3A_447 = arith.addi %mul3A_445, %add3A_446 : i32
      %get3A_448 = arith.index_cast %add3A_447 : i32 to index
      %get3A_449 = tpu.vector_load %arg8[%get3A_448] {strides = array<i32>} : memref<25616xi32, #tpu.memory_space<vmem>>, vector<16xi32>,
      %swap3A_450 = arith.constant 2 : i32
      %swap3A_451 = arith.index_cast %swap3A_450 : i32 to index
      %swap3A_452 = arith.constant 112 : index
      %swap3A_453 = tpu.vector_load %arg9[%swap3A_451, %swap3A_452] {strides = array<i32>} : memref<4x128xi32, #tpu.memory_space<vmem>>, vector<16xi32>,
      tpu.vector_store %arg9[%swap3A_451, %swap3A_452], %get3A_449 {strides = array<i32>} : memref<4x128xi32, #tpu.memory_space<vmem>>, vector<16xi32>,
      %dma_start3A_454 = arith.constant 2 : i32
      %dma_start3A_455 = arith.constant 0 : i32
      %dma_start3A_456 = tpu.memref_slice %arg9[%dma_start3A_454, %dma_start3A_455] : memref<4x128xi32, #tpu.memory_space<vmem>> -> memref<1x128xi32, #tpu.memory_space<vmem>>
      %dma_start3A_457 = tpu.memref_squeeze %dma_start3A_456 : memref<1x128xi32, #tpu.memory_space<vmem>> -> memref<128xi32, #tpu.memory_space<vmem>>
      %dma_start3A_458 = arith.constant 0 : i32
      %dma_start3A_459 = arith.constant 0 : i32
      %dma_start3A_460 = tpu.memref_slice %arg5[%dma_start3A_458, %dma_start3A_459] : memref<819200x64xf32, #tpu.memory_space<hbm>> -> memref<819200x64xf32, #tpu.memory_space<hbm>>
      tpu.enqueue_indirect_dma source(%arg12 : memref<128x64xf32, #tpu.memory_space<vmem>>) target(%dma_start3A_460 : memref<819200x64xf32, #tpu.memory_space<hbm>>) offsets(%dma_start3A_457 : memref<128xi32, #tpu.memory_space<vmem>>) semaphore(%arg21 : memref<!tpu.dma_semaphore, #tpu.memory_space<semaphore_mem>>)
      %mul3A_461 = arith.constant 4 : i32
      %mul3A_462 = arith.muli %scan3A_89, %mul3A_461 : i32
      %add3A_463 = arith.constant 3 : i32
      %add3A_464 = arith.addi %mul3A_462, %add3A_463 : i32
      %sub3A_465 = arith.constant 1 : i32
      %sub3A_466 = arith.subi %add3A_464, %sub3A_465 : i32
      %dma_wait3A_467 = arith.constant 2 : i32
      %dma_wait3A_468 = arith.constant 0 : i32
      %dma_wait3A_469 = tpu.memref_slice %arg9[%dma_wait3A_467, %dma_wait3A_468] : memref<4x128xi32, #tpu.memory_space<vmem>> -> memref<1x128xi32, #tpu.memory_space<vmem>>
      %dma_wait3A_470 = tpu.memref_squeeze %dma_wait3A_469 : memref<1x128xi32, #tpu.memory_space<vmem>> -> memref<128xi32, #tpu.memory_space<vmem>>
      %dma_wait3A_471 = arith.constant 0 : i32
      %dma_wait3A_472 = arith.constant 0 : i32
      %dma_wait3A_473 = tpu.memref_slice %arg5[%dma_wait3A_471, %dma_wait3A_472] : memref<819200x64xf32, #tpu.memory_space<hbm>> -> memref<819200x64xf32, #tpu.memory_space<hbm>>
      tpu.wait_indirect_dma semaphore(%arg21 : memref<!tpu.dma_semaphore, #tpu.memory_space<semaphore_mem>>) src(%arg12 : memref<128x64xf32, #tpu.memory_space<vmem>>) dst(%dma_wait3A_473 : memref<819200x64xf32, #tpu.memory_space<hbm>>)
      %add3A_474 = arith.constant 4 : i32
      %add3A_475 = arith.addi %add3A_464, %add3A_474 : i32
      %sub3A_476 = arith.constant 1 : i32
      %sub3A_477 = arith.subi %add3A_475, %sub3A_476 : i32
      %lt3A_478 = arith.constant 200 : i32
      %lt3A_479 = arith.cmpi slt, %sub3A_477, %lt3A_478 : i32
      %convert_element_type3A_480 = arith.extui %lt3A_479 : i1 to i32
      %cond3A_481 = arith.constant 0 : i32
      %cond3A_482 = arith.cmpi ne, %convert_element_type3A_480, %cond3A_481 : i32
      scf.if %cond3A_482 {
        %add3A_587 = arith.constant 4 : i32
        %add3A_588 = arith.addi %add3A_464, %add3A_587 : i32
        %sub3A_589 = arith.constant 1 : i32
        %sub3A_590 = arith.subi %add3A_588, %sub3A_589 : i32
        %mul3A_591 = arith.constant 128 : i32
        %mul3A_592 = arith.muli %sub3A_590, %mul3A_591 : i32
        %sub3A_593 = arith.subi %scan3A_8#0, %mul3A_592 : i32
        %mul3A_594 = arith.constant 128 : i32
        %mul3A_595 = arith.muli %sub3A_590, %mul3A_594 : i32
        %ge3A_596 = arith.constant 128 : i32
        %ge3A_597 = arith.cmpi sge, %sub3A_593, %ge3A_596 : i32
        %convert_element_type3A_598 = arith.extui %ge3A_597 : i1 to i32
        %cond3A_599 = arith.constant 0 : i32
        %cond3A_600 = arith.cmpi ne, %convert_element_type3A_598, %cond3A_599 : i32
        scf.if %cond3A_600 {
          %dma_start3A_614 = tpu.memref_slice %arg7[%mul3A_595] : memref<25616xi32, #tpu.memory_space<vmem>> -> memref<128xi32, #tpu.memory_space<vmem>>
          %dma_start3A_615 = arith.constant 0 : i32
          %dma_start3A_616 = arith.constant 0 : i32
          %dma_start3A_617 = tpu.memref_slice %arg3[%dma_start3A_615, %dma_start3A_616] : memref<500000x64xf32, #tpu.memory_space<hbm>> -> memref<500000x64xf32, #tpu.memory_space<hbm>>
          tpu.enqueue_indirect_dma source(%dma_start3A_617 : memref<500000x64xf32, #tpu.memory_space<hbm>>) target(%arg12 : memref<128x64xf32, #tpu.memory_space<vmem>>) offsets(%dma_start3A_614 : memref<128xi32, #tpu.memory_space<vmem>>) semaphore(%arg17 : memref<!tpu.dma_semaphore, #tpu.memory_space<semaphore_mem>>)
        } else {
        }
        %le3A_601 = arith.constant 0 : i32
        %le3A_602 = arith.cmpi sle, %sub3A_593, %le3A_601 : i32
        %convert_element_type3A_603 = arith.extui %le3A_602 : i1 to i32
        %cond3A_604 = arith.constant 0 : i32
        %cond3A_605 = arith.cmpi ne, %convert_element_type3A_603, %cond3A_604 : i32
        scf.if %cond3A_605 {
          %dma_start3A_614 = tpu.memref_slice %arg7[%mul3A_595] : memref<25616xi32, #tpu.memory_space<vmem>> -> memref<128xi32, #tpu.memory_space<vmem>>
          %dma_start3A_615 = arith.constant 0 : i32
          %dma_start3A_616 = arith.constant 0 : i32
          %dma_start3A_617 = tpu.memref_slice %arg4[%dma_start3A_615, %dma_start3A_616] : memref<500000x64xf32, #tpu.memory_space<hbm>> -> memref<500000x64xf32, #tpu.memory_space<hbm>>
          tpu.enqueue_indirect_dma source(%dma_start3A_617 : memref<500000x64xf32, #tpu.memory_space<hbm>>) target(%arg12 : memref<128x64xf32, #tpu.memory_space<vmem>>) offsets(%dma_start3A_614 : memref<128xi32, #tpu.memory_space<vmem>>) semaphore(%arg17 : memref<!tpu.dma_semaphore, #tpu.memory_space<semaphore_mem>>)
        } else {
        }
        %gt3A_606 = arith.constant 0 : i32
        %gt3A_607 = arith.cmpi sgt, %sub3A_593, %gt3A_606 : i32
        %lt3A_608 = arith.constant 128 : i32
        %lt3A_609 = arith.cmpi slt, %sub3A_593, %lt3A_608 : i32
        %and3A_610 = arith.andi %gt3A_607, %lt3A_609 : i1
        %convert_element_type3A_611 = arith.extui %and3A_610 : i1 to i32
        %cond3A_612 = arith.constant 0 : i32
        %cond3A_613 = arith.cmpi ne, %convert_element_type3A_611, %cond3A_612 : i32
        scf.if %cond3A_613 {
          %dma_start3A_614 = tpu.memref_slice %arg7[%mul3A_595] : memref<25616xi32, #tpu.memory_space<vmem>> -> memref<128xi32, #tpu.memory_space<vmem>>
          %dma_start3A_615 = arith.constant 0 : i32
          %dma_start3A_616 = arith.constant 0 : i32
          %dma_start3A_617 = tpu.memref_slice %arg3[%dma_start3A_615, %dma_start3A_616] : memref<500000x64xf32, #tpu.memory_space<hbm>> -> memref<500000x64xf32, #tpu.memory_space<hbm>>
          tpu.enqueue_indirect_dma source(%dma_start3A_617 : memref<500000x64xf32, #tpu.memory_space<hbm>>) target(%arg12 : memref<128x64xf32, #tpu.memory_space<vmem>>) offsets(%dma_start3A_614 : memref<128xi32, #tpu.memory_space<vmem>>) semaphore(%arg17 : memref<!tpu.dma_semaphore, #tpu.memory_space<semaphore_mem>>)
          %dma_start3A_618 = tpu.memref_slice %arg7[%mul3A_595] : memref<25616xi32, #tpu.memory_space<vmem>> -> memref<128xi32, #tpu.memory_space<vmem>>
          %dma_start3A_619 = arith.constant 0 : i32
          %dma_start3A_620 = arith.constant 0 : i32
          %dma_start3A_621 = tpu.memref_slice %arg4[%dma_start3A_619, %dma_start3A_620] : memref<500000x64xf32, #tpu.memory_space<hbm>> -> memref<500000x64xf32, #tpu.memory_space<hbm>>
          tpu.enqueue_indirect_dma source(%dma_start3A_621 : memref<500000x64xf32, #tpu.memory_space<hbm>>) target(%arg14 : memref<128x64xf32, #tpu.memory_space<vmem>>) offsets(%dma_start3A_618 : memref<128xi32, #tpu.memory_space<vmem>>) semaphore(%arg23 : memref<!tpu.dma_semaphore, #tpu.memory_space<semaphore_mem>>)
        } else {
        }
      } else {
      }
      %mul3A_483 = arith.constant 128 : i32
      %mul3A_484 = arith.muli %add3A_464, %mul3A_483 : i32
      %sub3A_485 = arith.subi %scan3A_8#0, %mul3A_484 : i32
      %mul3A_486 = arith.constant 128 : i32
      %mul3A_487 = arith.muli %add3A_464, %mul3A_486 : i32
      %dma_wait3A_488 = tpu.memref_slice %arg7[%mul3A_487] : memref<25616xi32, #tpu.memory_space<vmem>> -> memref<128xi32, #tpu.memory_space<vmem>>
      %dma_wait3A_489 = arith.constant 0 : i32
      %dma_wait3A_490 = arith.constant 0 : i32
      %dma_wait3A_491 = tpu.memref_slice %arg3[%dma_wait3A_489, %dma_wait3A_490] : memref<500000x64xf32, #tpu.memory_space<hbm>> -> memref<500000x64xf32, #tpu.memory_space<hbm>>
      tpu.wait_indirect_dma semaphore(%arg18 : memref<!tpu.dma_semaphore, #tpu.memory_space<semaphore_mem>>) src(%dma_wait3A_491 : memref<500000x64xf32, #tpu.memory_space<hbm>>) dst(%arg13 : memref<128x64xf32, #tpu.memory_space<vmem>>)
      %gt3A_492 = arith.constant 0 : i32
      %gt3A_493 = arith.cmpi sgt, %sub3A_485, %gt3A_492 : i32
      %lt3A_494 = arith.constant 128 : i32
      %lt3A_495 = arith.cmpi slt, %sub3A_485, %lt3A_494 : i32
      %and3A_496 = arith.andi %gt3A_493, %lt3A_495 : i1
      %convert_element_type3A_497 = arith.extui %and3A_496 : i1 to i32
      %cond3A_498 = arith.constant 0 : i32
      %cond3A_499 = arith.cmpi ne, %convert_element_type3A_497, %cond3A_498 : i32
      scf.if %cond3A_499 {
        %mul3A_587 = arith.constant 128 : i32
        %mul3A_588 = arith.muli %add3A_464, %mul3A_587 : i32
        %dma_wait3A_589 = tpu.memref_slice %arg7[%mul3A_588] : memref<25616xi32, #tpu.memory_space<vmem>> -> memref<128xi32, #tpu.memory_space<vmem>>
        %dma_wait3A_590 = arith.constant 0 : i32
        %dma_wait3A_591 = arith.constant 0 : i32
        %dma_wait3A_592 = tpu.memref_slice %arg4[%dma_wait3A_590, %dma_wait3A_591] : memref<500000x64xf32, #tpu.memory_space<hbm>> -> memref<500000x64xf32, #tpu.memory_space<hbm>>
        tpu.wait_indirect_dma semaphore(%arg23 : memref<!tpu.dma_semaphore, #tpu.memory_space<semaphore_mem>>) src(%dma_wait3A_592 : memref<500000x64xf32, #tpu.memory_space<hbm>>) dst(%arg14 : memref<128x64xf32, #tpu.memory_space<vmem>>)
        %scan3A_593 = arith.constant 0 : i32
        %scan3A_594 = arith.constant 0 : i32
        %scan3A_595 = arith.constant 128 : i32
        %scan3A_596 = arith.addi %scan3A_594, %scan3A_595 : i32
        %scan3A_597 = arith.constant 1 : i32
        scf.for %scan3A_599 = %scan3A_594 to %scan3A_596 step %scan3A_597  : i32 {
          %ge3A_600 = arith.cmpi sge, %scan3A_599, %sub3A_485 : i32
          %convert_element_type3A_601 = arith.extui %ge3A_600 : i1 to i32
          %cond3A_602 = arith.constant 0 : i32
          %cond3A_603 = arith.cmpi ne, %convert_element_type3A_601, %cond3A_602 : i32
          scf.if %cond3A_603 {
            %get3A_604 = arith.index_cast %scan3A_599 : i32 to index
            %get3A_605 = arith.constant 0 : index
            %get3A_606 = tpu.vector_load %arg14[%get3A_604, %get3A_605] {strides = array<i32>} : memref<128x64xf32, #tpu.memory_space<vmem>>, vector<16xf32>,
            %swap3A_607 = arith.index_cast %scan3A_599 : i32 to index
            %swap3A_608 = arith.constant 0 : index
            %swap3A_609 = tpu.vector_load %arg13[%swap3A_607, %swap3A_608] {strides = array<i32>} : memref<128x64xf32, #tpu.memory_space<vmem>>, vector<16xf32>,
            tpu.vector_store %arg13[%swap3A_607, %swap3A_608], %get3A_606 {strides = array<i32>} : memref<128x64xf32, #tpu.memory_space<vmem>>, vector<16xf32>,
            %get3A_610 = arith.index_cast %scan3A_599 : i32 to index
            %get3A_611 = arith.constant 16 : index
            %get3A_612 = tpu.vector_load %arg14[%get3A_610, %get3A_611] {strides = array<i32>} : memref<128x64xf32, #tpu.memory_space<vmem>>, vector<16xf32>,
            %swap3A_613 = arith.index_cast %scan3A_599 : i32 to index
            %swap3A_614 = arith.constant 16 : index
            %swap3A_615 = tpu.vector_load %arg13[%swap3A_613, %swap3A_614] {strides = array<i32>} : memref<128x64xf32, #tpu.memory_space<vmem>>, vector<16xf32>,
            tpu.vector_store %arg13[%swap3A_613, %swap3A_614], %get3A_612 {strides = array<i32>} : memref<128x64xf32, #tpu.memory_space<vmem>>, vector<16xf32>,
            %get3A_616 = arith.index_cast %scan3A_599 : i32 to index
            %get3A_617 = arith.constant 32 : index
            %get3A_618 = tpu.vector_load %arg14[%get3A_616, %get3A_617] {strides = array<i32>} : memref<128x64xf32, #tpu.memory_space<vmem>>, vector<16xf32>,
            %swap3A_619 = arith.index_cast %scan3A_599 : i32 to index
            %swap3A_620 = arith.constant 32 : index
            %swap3A_621 = tpu.vector_load %arg13[%swap3A_619, %swap3A_620] {strides = array<i32>} : memref<128x64xf32, #tpu.memory_space<vmem>>, vector<16xf32>,
            tpu.vector_store %arg13[%swap3A_619, %swap3A_620], %get3A_618 {strides = array<i32>} : memref<128x64xf32, #tpu.memory_space<vmem>>, vector<16xf32>,
            %get3A_622 = arith.index_cast %scan3A_599 : i32 to index
            %get3A_623 = arith.constant 48 : index
            %get3A_624 = tpu.vector_load %arg14[%get3A_622, %get3A_623] {strides = array<i32>} : memref<128x64xf32, #tpu.memory_space<vmem>>, vector<16xf32>,
            %swap3A_625 = arith.index_cast %scan3A_599 : i32 to index
            %swap3A_626 = arith.constant 48 : index
            %swap3A_627 = tpu.vector_load %arg13[%swap3A_625, %swap3A_626] {strides = array<i32>} : memref<128x64xf32, #tpu.memory_space<vmem>>, vector<16xf32>,
            tpu.vector_store %arg13[%swap3A_625, %swap3A_626], %get3A_624 {strides = array<i32>} : memref<128x64xf32, #tpu.memory_space<vmem>>, vector<16xf32>,
          } else {
          }
        }
        %scan3A_598 = arith.constant 128 : i32
      } else {
      }
      %mul3A_500 = arith.constant 128 : i32
      %mul3A_501 = arith.muli %add3A_464, %mul3A_500 : i32
      %add3A_502 = arith.constant 0 : i32
      %add3A_503 = arith.addi %mul3A_501, %add3A_502 : i32
      %get3A_504 = arith.index_cast %add3A_503 : i32 to index
      %get3A_505 = tpu.vector_load %arg8[%get3A_504] {strides = array<i32>} : memref<25616xi32, #tpu.memory_space<vmem>>, vector<16xi32>,
      %swap3A_506 = arith.constant 3 : i32
      %swap3A_507 = arith.index_cast %swap3A_506 : i32 to index
      %swap3A_508 = arith.constant 0 : index
      %swap3A_509 = tpu.vector_load %arg9[%swap3A_507, %swap3A_508] {strides = array<i32>} : memref<4x128xi32, #tpu.memory_space<vmem>>, vector<16xi32>,
      tpu.vector_store %arg9[%swap3A_507, %swap3A_508], %get3A_505 {strides = array<i32>} : memref<4x128xi32, #tpu.memory_space<vmem>>, vector<16xi32>,
      %mul3A_510 = arith.constant 128 : i32
      %mul3A_511 = arith.muli %add3A_464, %mul3A_510 : i32
      %add3A_512 = arith.constant 16 : i32
      %add3A_513 = arith.addi %mul3A_511, %add3A_512 : i32
      %get3A_514 = arith.index_cast %add3A_513 : i32 to index
      %get3A_515 = tpu.vector_load %arg8[%get3A_514] {strides = array<i32>} : memref<25616xi32, #tpu.memory_space<vmem>>, vector<16xi32>,
      %swap3A_516 = arith.constant 3 : i32
      %swap3A_517 = arith.index_cast %swap3A_516 : i32 to index
      %swap3A_518 = arith.constant 16 : index
      %swap3A_519 = tpu.vector_load %arg9[%swap3A_517, %swap3A_518] {strides = array<i32>} : memref<4x128xi32, #tpu.memory_space<vmem>>, vector<16xi32>,
      tpu.vector_store %arg9[%swap3A_517, %swap3A_518], %get3A_515 {strides = array<i32>} : memref<4x128xi32, #tpu.memory_space<vmem>>, vector<16xi32>,
      %mul3A_520 = arith.constant 128 : i32
      %mul3A_521 = arith.muli %add3A_464, %mul3A_520 : i32
      %add3A_522 = arith.constant 32 : i32
      %add3A_523 = arith.addi %mul3A_521, %add3A_522 : i32
      %get3A_524 = arith.index_cast %add3A_523 : i32 to index
      %get3A_525 = tpu.vector_load %arg8[%get3A_524] {strides = array<i32>} : memref<25616xi32, #tpu.memory_space<vmem>>, vector<16xi32>,
      %swap3A_526 = arith.constant 3 : i32
      %swap3A_527 = arith.index_cast %swap3A_526 : i32 to index
      %swap3A_528 = arith.constant 32 : index
      %swap3A_529 = tpu.vector_load %arg9[%swap3A_527, %swap3A_528] {strides = array<i32>} : memref<4x128xi32, #tpu.memory_space<vmem>>, vector<16xi32>,
      tpu.vector_store %arg9[%swap3A_527, %swap3A_528], %get3A_525 {strides = array<i32>} : memref<4x128xi32, #tpu.memory_space<vmem>>, vector<16xi32>,
      %mul3A_530 = arith.constant 128 : i32
      %mul3A_531 = arith.muli %add3A_464, %mul3A_530 : i32
      %add3A_532 = arith.constant 48 : i32
      %add3A_533 = arith.addi %mul3A_531, %add3A_532 : i32
      %get3A_534 = arith.index_cast %add3A_533 : i32 to index
      %get3A_535 = tpu.vector_load %arg8[%get3A_534] {strides = array<i32>} : memref<25616xi32, #tpu.memory_space<vmem>>, vector<16xi32>,
      %swap3A_536 = arith.constant 3 : i32
      %swap3A_537 = arith.index_cast %swap3A_536 : i32 to index
      %swap3A_538 = arith.constant 48 : index
      %swap3A_539 = tpu.vector_load %arg9[%swap3A_537, %swap3A_538] {strides = array<i32>} : memref<4x128xi32, #tpu.memory_space<vmem>>, vector<16xi32>,
      tpu.vector_store %arg9[%swap3A_537, %swap3A_538], %get3A_535 {strides = array<i32>} : memref<4x128xi32, #tpu.memory_space<vmem>>, vector<16xi32>,
      %mul3A_540 = arith.constant 128 : i32
      %mul3A_541 = arith.muli %add3A_464, %mul3A_540 : i32
      %add3A_542 = arith.constant 64 : i32
      %add3A_543 = arith.addi %mul3A_541, %add3A_542 : i32
      %get3A_544 = arith.index_cast %add3A_543 : i32 to index
      %get3A_545 = tpu.vector_load %arg8[%get3A_544] {strides = array<i32>} : memref<25616xi32, #tpu.memory_space<vmem>>, vector<16xi32>,
      %swap3A_546 = arith.constant 3 : i32
      %swap3A_547 = arith.index_cast %swap3A_546 : i32 to index
      %swap3A_548 = arith.constant 64 : index
      %swap3A_549 = tpu.vector_load %arg9[%swap3A_547, %swap3A_548] {strides = array<i32>} : memref<4x128xi32, #tpu.memory_space<vmem>>, vector<16xi32>,
      tpu.vector_store %arg9[%swap3A_547, %swap3A_548], %get3A_545 {strides = array<i32>} : memref<4x128xi32, #tpu.memory_space<vmem>>, vector<16xi32>,
      %mul3A_550 = arith.constant 128 : i32
      %mul3A_551 = arith.muli %add3A_464, %mul3A_550 : i32
      %add3A_552 = arith.constant 80 : i32
      %add3A_553 = arith.addi %mul3A_551, %add3A_552 : i32
      %get3A_554 = arith.index_cast %add3A_553 : i32 to index
      %get3A_555 = tpu.vector_load %arg8[%get3A_554] {strides = array<i32>} : memref<25616xi32, #tpu.memory_space<vmem>>, vector<16xi32>,
      %swap3A_556 = arith.constant 3 : i32
      %swap3A_557 = arith.index_cast %swap3A_556 : i32 to index
      %swap3A_558 = arith.constant 80 : index
      %swap3A_559 = tpu.vector_load %arg9[%swap3A_557, %swap3A_558] {strides = array<i32>} : memref<4x128xi32, #tpu.memory_space<vmem>>, vector<16xi32>,
      tpu.vector_store %arg9[%swap3A_557, %swap3A_558], %get3A_555 {strides = array<i32>} : memref<4x128xi32, #tpu.memory_space<vmem>>, vector<16xi32>,
      %mul3A_560 = arith.constant 128 : i32
      %mul3A_561 = arith.muli %add3A_464, %mul3A_560 : i32
      %add3A_562 = arith.constant 96 : i32
      %add3A_563 = arith.addi %mul3A_561, %add3A_562 : i32
      %get3A_564 = arith.index_cast %add3A_563 : i32 to index
      %get3A_565 = tpu.vector_load %arg8[%get3A_564] {strides = array<i32>} : memref<25616xi32, #tpu.memory_space<vmem>>, vector<16xi32>,
      %swap3A_566 = arith.constant 3 : i32
      %swap3A_567 = arith.index_cast %swap3A_566 : i32 to index
      %swap3A_568 = arith.constant 96 : index
      %swap3A_569 = tpu.vector_load %arg9[%swap3A_567, %swap3A_568] {strides = array<i32>} : memref<4x128xi32, #tpu.memory_space<vmem>>, vector<16xi32>,
      tpu.vector_store %arg9[%swap3A_567, %swap3A_568], %get3A_565 {strides = array<i32>} : memref<4x128xi32, #tpu.memory_space<vmem>>, vector<16xi32>,
      %mul3A_570 = arith.constant 128 : i32
      %mul3A_571 = arith.muli %add3A_464, %mul3A_570 : i32
      %add3A_572 = arith.constant 112 : i32
      %add3A_573 = arith.addi %mul3A_571, %add3A_572 : i32
      %get3A_574 = arith.index_cast %add3A_573 : i32 to index
      %get3A_575 = tpu.vector_load %arg8[%get3A_574] {strides = array<i32>} : memref<25616xi32, #tpu.memory_space<vmem>>, vector<16xi32>,
      %swap3A_576 = arith.constant 3 : i32
      %swap3A_577 = arith.index_cast %swap3A_576 : i32 to index
      %swap3A_578 = arith.constant 112 : index
      %swap3A_579 = tpu.vector_load %arg9[%swap3A_577, %swap3A_578] {strides = array<i32>} : memref<4x128xi32, #tpu.memory_space<vmem>>, vector<16xi32>,
      tpu.vector_store %arg9[%swap3A_577, %swap3A_578], %get3A_575 {strides = array<i32>} : memref<4x128xi32, #tpu.memory_space<vmem>>, vector<16xi32>,
      %dma_start3A_580 = arith.constant 3 : i32
      %dma_start3A_581 = arith.constant 0 : i32
      %dma_start3A_582 = tpu.memref_slice %arg9[%dma_start3A_580, %dma_start3A_581] : memref<4x128xi32, #tpu.memory_space<vmem>> -> memref<1x128xi32, #tpu.memory_space<vmem>>
      %dma_start3A_583 = tpu.memref_squeeze %dma_start3A_582 : memref<1x128xi32, #tpu.memory_space<vmem>> -> memref<128xi32, #tpu.memory_space<vmem>>
      %dma_start3A_584 = arith.constant 0 : i32
      %dma_start3A_585 = arith.constant 0 : i32
      %dma_start3A_586 = tpu.memref_slice %arg5[%dma_start3A_584, %dma_start3A_585] : memref<819200x64xf32, #tpu.memory_space<hbm>> -> memref<819200x64xf32, #tpu.memory_space<hbm>>
      tpu.enqueue_indirect_dma source(%arg13 : memref<128x64xf32, #tpu.memory_space<vmem>>) target(%dma_start3A_586 : memref<819200x64xf32, #tpu.memory_space<hbm>>) offsets(%dma_start3A_583 : memref<128xi32, #tpu.memory_space<vmem>>) semaphore(%arg22 : memref<!tpu.dma_semaphore, #tpu.memory_space<semaphore_mem>>)
    }
    %scan3A_82 = arith.constant 50 : i32
    %dma_wait3A = arith.constant 3 : i32
    %dma_wait3A_83 = arith.constant 0 : i32
    %dma_wait3A_84 = tpu.memref_slice %arg9[%dma_wait3A, %dma_wait3A_83] : memref<4x128xi32, #tpu.memory_space<vmem>> -> memref<1x128xi32, #tpu.memory_space<vmem>>
    %dma_wait3A_85 = tpu.memref_squeeze %dma_wait3A_84 : memref<1x128xi32, #tpu.memory_space<vmem>> -> memref<128xi32, #tpu.memory_space<vmem>>
    %dma_wait3A_86 = arith.constant 0 : i32
    %dma_wait3A_87 = arith.constant 0 : i32
    %dma_wait3A_88 = tpu.memref_slice %arg5[%dma_wait3A_86, %dma_wait3A_87] : memref<819200x64xf32, #tpu.memory_space<hbm>> -> memref<819200x64xf32, #tpu.memory_space<hbm>>
    tpu.wait_indirect_dma semaphore(%arg22 : memref<!tpu.dma_semaphore, #tpu.memory_space<semaphore_mem>>) src(%arg13 : memref<128x64xf32, #tpu.memory_space<vmem>>) dst(%dma_wait3A_88 : memref<819200x64xf32, #tpu.memory_space<hbm>>)
    return
  }
}

</mosaic_0001>

<sc_bundles>
// kernel: kernel.3.cloned.1.call-start
scs
__scs_entry_jumppad:
0x0: {  	(pc) =	sbr.rel $0x88, $3  }
0x1: {  	(tag) =	ssettag $0x0;
	lr =	simm.s32 $0x1  }
0x2: {  	[smem:$0x3F9E] =	sst lr;
	_ =	strace $0xD0000000  }
0x3: {  	_ = 	snop  }
0x4: {  	_ = 	snop  }
0x5: {  	_ = 	snop  }
0x6: {  	_ = 	snop  }
0x7: {  	_ = 	snop  }
__scs_overlays_trampoline_lowered:
0x8: {  	[smem:$0x3FAD] =	sst s0  }
0x9: {  	[smem:$0x3FAE] =	sst s1  }
0xa: {  	[smem:$0x3FAF] =	sst s2  }
0xb: {  	[smem:$0x3FB0] =	sst s3  }
0xc: {  	[smem:$0x3FB1] =	sst s4  }
0xd: {  	[smem:$0x3FB2] =	sst s5  }
0xe: {  	[smem:$0x3FB3] =	sst s6  }
0xf: {  	[smem:$0x3FB4] =	sst s7  }
0x10: {  	[smem:$0x3FB5] =	sst s8  }
0x11: {  	[smem:$0x3FB6] =	sst s9;
	s0 =	simm.s32 @!p0 $0x0  }
0x12: {  	s1 =	sld [smem:$0x3F9C];
	s0 =	simm.s32 @p0 $0x1  }
0x13: {  	[smem:$0x3FB7] =	sst s0;
	s0 =	simm.s32 @!p1 $0x0  }
0x14: {  	s2 =	sld [smem:$0x3F9B];
	s0 =	simm.s32 @p1 $0x1  }
0x15: {  	[smem:$0x3FB8] =	sst s0;
	s0 =	simm.s32 @!p2 $0x0  }
0x16: {  	s3 =	sld [smem:$0x3FDB];
	s0 =	simm.s32 @p2 $0x1  }
0x17: {  	s4 =	simm.s32 $0x1BF5;
	[smem:$0x3FBA] =	sst s0  }
0x18: {  	s0 =	sld [smem:$0x3F9D];
	_ =	swait.ge [sflag:s4], $0x0  }
0x19: {  	s7 =	sld [smem:$0x3F9E]  }
0x1a: {  	s8 =	sadd.s32 $0xFFFFE003, lr  }
0x1b: {  	s9 =	sadd.s32 $0xFFFFFEF7, lr;
	s5 =	simm.s32 $0xFFFFFFFF;
	p2 =	slt.u32 s8, $0xFFFFF086  }
0x1c: {  	p1 =	slt.u32 s9, $0xF7A;
	s5 =	simm.s32 @!p2 $0x0  }
0x1d: {  	s5 =	simm.s32 @p1 $0x1;
	p0 =	seq.s32 s7, s2  }
0x1e: {  	s7 =	smul.u32 @!p0 $0xF7A, s2;
	p2 =	seq.s32 @!p0 s5, $0x0  }
0x1f: {  	s9 =	smul.u32 $0xF7A, s1;
	s8 =	simm.s32 @!p0 $0x1BF5;
	p2 =	por !p2, p0  }
0x20: {  	[sflag:s8] =	ssyncset.s32 @!p0 $0xFFFFF086;
	s6 =	sadd.s32 @!p0 s3, s7;
	s7 =	simm.s32 @!p0 $0x108  }
0x21: {  	s3 =	sadd.s32 s3, s9;
	s6 =	sadd.s32 @!p0 $0x88, s6;
	s7 =	simm.s32 @p2 $0x1082  }
0x22: {  	[simem:s7], [sflag:s8] =	dma.local @!p0 [hbm:s6], $0xF7A  }
0x23: {  	s9 =	sor.u32 $0xD0000000, s2;
	s6 =	simm.s32 $0x108;
	_ =	swait.ge @!p0 [sflag:s8], $0x0  }
0x24: {  	s3 =	sadd.s32 $0x88, s3;
	s6 =	simm.s32 @!p1 $0x1082;
	[sflag:s4] =	ssyncset.s32 $0xFFFFF086  }
0x25: {  	[simem:s6], [sflag:s4] =	dma.local [hbm:s3], $0xF7A  }
0x26: {  	[smem:$0x3F9E] =	sst s1;
	(tag) =	ssettag s2;
	_ =	strace s9  }
0x27: {  	s1 =	sld [smem:$0x3FAE]  }
0x28: {  	s2 =	sld [smem:$0x3FAF]  }
0x29: {  	s4 =	sld [smem:$0x3FB1]  }
0x2a: {  	p0 =	seq.s32 s5, $0x0;
	s5 =	sld [smem:$0x3FB2]  }
0x2b: {  	s6 =	sld [smem:$0x3FB3]  }
0x2c: {  	s7 =	sld [smem:$0x3FB4]  }
0x2d: {  	s3 =	simm.s32 $0x108;
	s8 =	sld [smem:$0x3FB5]  }
0x2e: {  	s3 =	simm.s32 @!p0 $0x1082;
	s9 =	sld [smem:$0x3FB6]  }
0x2f: {  	lr =	sadd.s32 s0, s3;
	s0 =	sld [smem:$0x3FAD]  }
0x30: {  	s3 =	sld [smem:$0x3FB0]  }
0x31: {  	[smem:$0x3FB9] =	sst s10  }
0x32: {  	s10 =	sld [smem:$0x3FB7];
	_ =	sdelay $0x3  }
0x33: {  	p0 =	seq.s32 s10, $0x1;
	s10 =	sld [smem:$0x3FB9];
	_ =	sdelay $0x3  }
0x34: {  	[smem:$0x3FB9] =	sst s10  }
0x35: {  	s10 =	sld [smem:$0x3FB8];
	_ =	sdelay $0x3  }
0x36: {  	p1 =	seq.s32 s10, $0x1;
	s10 =	sld [smem:$0x3FB9];
	_ =	sdelay $0x3  }
0x37: {  	[smem:$0x3FB9] =	sst s10  }
0x38: {  	s10 =	sld [smem:$0x3FBA]  }
0x39: {  	_ = 	snop;
	(pc) =	sbr.ind lr, $3  }
0x3a: {  	_ = 	snop  }
0x3b: {  	_ = 	snop  }
0x3c: {  	p2 =	seq.s32 s10, $0x1;
	s10 =	sld [smem:$0x3FB9]  }
0x3d: {  	_ =	shalt  }
0x3e: {  	_ =	shalt  }
0x3f: {  	_ =	shalt  }
0x40: {  	_ =	shalt  }
0x41: {  	_ =	shalt  }
0x42: {  	_ =	shalt  }
0x43: {  	_ =	shalt  }
0x44: {  	_ =	shalt  }
0x45: {  	_ =	shalt  }
0x46: {  	_ =	shalt  }
0x47: {  	_ =	shalt  }
0x48: {  	_ =	shalt  }
0x49: {  	_ =	shalt  }
0x4a: {  	_ =	shalt  }
0x4b: {  	_ =	shalt  }
0x4c: {  	_ =	shalt  }
0x4d: {  	_ =	shalt  }
0x4e: {  	_ =	shalt  }
0x4f: {  	_ =	shalt  }
0x50: {  	_ =	shalt  }
0x51: {  	_ =	shalt  }
0x52: {  	_ =	shalt  }
0x53: {  	_ =	shalt  }
0x54: {  	_ =	shalt  }
0x55: {  	_ =	shalt  }
0x56: {  	_ =	shalt  }
0x57: {  	_ =	shalt  }
0x58: {  	_ =	shalt  }
0x59: {  	_ =	shalt  }
0x5a: {  	_ =	shalt  }
0x5b: {  	_ =	shalt  }
0x5c: {  	_ =	shalt  }
0x5d: {  	_ =	shalt  }
0x5e: {  	_ =	shalt  }
0x5f: {  	_ =	shalt  }
0x60: {  	_ =	shalt  }
0x61: {  	_ =	shalt  }
0x62: {  	_ =	shalt  }
0x63: {  	_ =	shalt  }
0x64: {  	_ =	shalt  }
0x65: {  	_ =	shalt  }
0x66: {  	_ =	shalt  }
0x67: {  	_ =	shalt  }
0x68: {  	_ =	shalt  }
0x69: {  	_ =	shalt  }
0x6a: {  	_ =	shalt  }
0x6b: {  	_ =	shalt  }
0x6c: {  	_ =	shalt  }
0x6d: {  	_ =	shalt  }
0x6e: {  	_ =	shalt  }
0x6f: {  	_ =	shalt  }
0x70: {  	_ =	shalt  }
0x71: {  	_ =	shalt  }
0x72: {  	_ =	shalt  }
0x73: {  	_ =	shalt  }
0x74: {  	_ =	shalt  }
0x75: {  	_ =	shalt  }
0x76: {  	_ =	shalt  }
0x77: {  	_ =	shalt  }
0x78: {  	_ =	shalt  }
0x79: {  	_ =	shalt  }
0x7a: {  	_ =	shalt  }
0x7b: {  	_ =	shalt  }
0x7c: {  	_ =	shalt  }
0x7d: {  	_ =	shalt  }
0x7e: {  	_ =	shalt  }
0x7f: {  	_ =	shalt  }
0x80: {  	_ =	shalt  }
0x81: {  	_ =	shalt  }
0x82: {  	_ =	shalt  }
0x83: {  	_ =	shalt  }
0x84: {  	_ =	shalt  }
0x85: {  	_ =	shalt  }
0x86: {  	_ =	shalt  }
0x87: {  	_ =	shalt  }
.Lfunc_end0:
.L_simem_size_0:
called_computation.1_lowered:
.L_overlay_start_0:
0x88: {  	s2 =	sld [smem:$0x3FD9]  }
0x89: {  	s3 =	sld [smem:$0x3FFE];
	_ =	sdelay $0x1  }
0x8a: {  	s1 =	srdreg.scid  }
0x8b: {  	s0 =	sand.u32 $0x1, s1  }
0x8c: {  	s17 =	sshll.u32 s0, $0xA;
	s2 =	sadd.s32 s3, s2  }
0x8d: {  	s2 =	sadd.s32 s2, s17  }
0x8e: {  	[smem:$0x3FC5] =	sst s2  }
0x8f: {  	_ = 	snop  }
0x90: {  	s2 =	sld [smem:$0x3FD0];
	(tm) =	ssettm $0x1  }
0x91: {  	s18 =	sld [smem:$0x3FFB];
	_ =	sdelay $0x3  }
0x92: {  	_ =	strace s18  }
0x93: {  	s3 =	sld [smem:$0x3FFC];
	_ =	sdelay $0x3  }
0x94: {  	_ =	strace s3  }
0x95: {  	s3 =	sld [smem:$0x3FFD];
	_ =	sdelay $0x3  }
0x96: {  	_ =	strace s3  }
0x97: {  	_ =	strace $0x8FFFFFFF  }
0x98: {  	s19 =	sld [smem:$0x3FDB];
	_ =	sdelay $0x1  }
0x99: {  	s4 =	simm.s32 $_scs_section_size  }
0x9a: {  	s5 =	simm.s32 $_size__tile_overlayer_lowered;
	s6 =	simm.s32 $_tile_overlayer_lowered  }
0x9b: {  	s22 =	simm.s32 $0x1BFF;
	s21 =	sshll.u32 s6, $0x1;
	s3 =	sadd.s32 s4, s19  }
0x9c: {  	s7 =	simm.s32 $0x0;
	s20 =	sshll.u32 s5, $0x1;
	s5 =	sadd.s32 s21, s3  }
0x9d: {  	[timem:s7], [sflag:s22] =	dma.local [hbm:s5], s20  }
0x9e: {  	_ =	swait.ge [sflag:s22], s20  }
0x9f: {  	s4 =	ssub.s32 $0x0, s20;
	[sflag:s22] =	ssyncset.done $0x0  }
0xa0: {  	[sflag:s22] =	ssyncadd.s32 s4;
	_ =	sdelay $0x1  }
0xa1: {  	s23 =	simm.s32 $0x1B8B  }
0xa2: {  	_ =	swait.ge [sflag:s23], $0x1  }
0xa3: {  	[sflag:s23] =	ssyncset.done $0x0  }
0xa4: {  	s25 =	simm.s32 $0x1B8E;
	s24 =	sld [smem:$0x3FFE];
	[sflag:s23] =	ssyncadd.s32 $0xFFFFFFFF  }
0xa5: {  	s26 =	simm.s32 $execute0_lowered;
	[smem:$0x3FD2] =	sst s25  }
0xa6: {  	s5 =	sshll.u32 s26, $0x1;
	_ =	strace $0x80000046;
	[dreg:$0x1] =	wrdreg $0xFFFFFFFF  }
0xa7: {  	s28 =	simm.s32 $_size_execute0_lowered;
	s3 =	sadd.s32 s3, s5;
	[dreg:$0x0] =	wrdreg $0x0  }
0xa8: {  	s5 =	sshll.u32 s28, $0x1;
	[dreg:$0x2] =	wrdreg s3  }
0xa9: {  	[dreg:$0x3] =	wrdreg s5  }
0xaa: {  	[dreg:$0x4] =	wrdreg $0xC0  }
0xab: {  	_ =	task [dreg:s7], $0x5FFFF  }
0xac: {  	[dreg:$0x1] =	wrdreg $0xFFFFFFFF  }
0xad: {  	[dreg:$0x0] =	wrdreg $0x60  }
0xae: {  	[dreg:$0x2] =	wrdreg s24  }
0xaf: {  	[dreg:$0x3] =	wrdreg s2  }
0xb0: {  	[dreg:$0x4] =	wrdreg $0x9  }
0xb1: {  	_ =	task.clear_ibuf [dreg:s7], $0x5FFFF;
	_ =	strace $0x90000046  }
0xb2: {  	s29 =	simm.s32 $0x9;
	_ =	strace $0x80000048  }
0xb3: {  	_ =	swait.ge [sflag:s29], $0x1  }
0xb4: {  	[sflag:s29] =	ssyncadd.s32 $0xFFFFFFFF  }
0xb5: {  	_ =	strace $0x90000048  }
0xb6: {  	_ =	sfence  }
0xb7: {  	s30 =	sld [smem:$0x0];
	_ =	sdelay $0x2  }
0xb8: {  	s31 =	sshll.u32 s1, $0xD;
	s1 =	sshrl.u32 s1, $0x2  }
0xb9: {  	s3 =	sand.u32 $0x4000, s31;
	s1 =	sadd.s32 s1, s30  }
0xba: {  	s0 =	sor.u32 s3, s0;
	s1 =	sshll.u32 s1, $0x11  }
0xbb: {  	s0 =	sor.u32 s1, s0  }
0xbc: {  	s0 =	sadd.s32 $0x8F2B, s0  }
0xbd: {  	[sflag:s0] =	ssyncadd.remote.s32 $0x1  }
0xbe: {  	_ =	sfence.sel $0xFFFF  }
0xbf: {  	[dreg:$0x0] =	wrdreg $0xFFFFFFFF;
	(pc) =	sbr.abs _section_cstart, $3  }
0xc0: {  	[dreg:$0x1] =	wrdreg $0xFFFFFFFF  }
0xc1: {  	_ =	task.clear_ibuf [dreg:s7], $0x2FFFF;
	_ =	strace $0x9FFFFFFF  }
0xc2: {  	(tm) =	ssettm $0x7FFFFFFF  }
0xc3: {  	_ =	shalt  }
tec
execute0_lowered:
.L_overlay_start_1:
0x0: {  	(tag) =	ssettag $0x1  }
0x1: {  	s0 =	srdreg.scid;
	s1 =	rddreg [dreg:$0x0]  }
0x2: {  	s4 =	stileid.u32;
	s2 =	rddreg [dreg:$0x1]  }
0x3: {  	s5 =	simm.s32 $0x0;
	s10 =	simm.s32 $0x6400;
	s11 =	simm.s32 $0xC810  }
0x4: {  	s12 =	simm.s32 $0x80;
	s13 =	simm.s32 $0x12E20;
	s15 =	simm.s32 $0x14E20  }
0x5: {  	s18 =	simm.s32 $0x16E20;
	s19 =	simm.s32 $0x1;
	s20 =	simm.s32 $0x9  }
0x6: {  	s22 =	simm.s32 $0x5;
	s23 =	simm.s32 $0x2;
	s24 =	simm.s32 $0x12CA0  }
0x7: {  	s25 =	simm.s32 $0x6;
	s28 =	simm.s32 $0x12D20;
	s29 =	simm.s32 $0x7  }
0x8: {  	s30 =	simm.s32 $0x4;
	s31 =	simm.s32 $0x12DA0;
	s0 =	sand.u32 $0x1, s0  }
0x9: {  	s3 =	sshll.u32 s4, $0x1;
	s7 =	smul.u32 $0xC800, s4;
	s4 =	sadd.s32 $0x7BAA00, s1  }
0xa: {  	s3 =	sor.u32 s0, s3;
	s6 =	ssub.s32 $0x2, s0;
	s0 =	smul.u32 $0x6400, s0  }
0xb: {  	[smem:$0x7FF] =	sst s5;
	s5 =	sadd.s32 $0xB8B400, s1;
	s3 =	smul.u32 $0x6400, s3  }
.Ltmp0:
0xc: {  	_ =	strace $0x80000047;
	s8 =	sshrl.u32 s6, $0x1;
	(pc) =	sbr.rel .LBB2_1-.Ltmp0, $4  }
0xd: {  	v0 =	vlaneseq.u32;
	s26 =	ssub.s32 s6, s8;
	s0 =	sadd.s32 s0, s7;
	s3 =	sshrl.u32 s3, $0x3  }
0xe: {  	v2 =	vmul.u32 $0xFFFFFFFF, v0;
	[dreg:$0x5] =	wrdreg s0;
	s3 =	sadd.s32 s3, s1;
	s1 =	smax.u32 s26, $0x1  }
0xf: {  	s6 =	simm.s32 $0x0;
	s3 =	sadd.s32 $0x800, s3;
	[dreg:$0x4] =	wrdreg s1  }
0x10: {  	v1 =	vimm.s32 $0x0;
	v2 =	vadd.s32 $0xFFFFFFFF, v2;
	s26 =	simm.s32 $0x3;
	s1 =	simm.s32 $0x18E20;
	[dreg:$0x3] =	wrdreg s3  }
.LBB2_30:
0x11: {  	s3 =	simm.s32 $0x8  }
0x12: {  	_ =	swait.ge [sflag:s3], $0x2000  }
0x13: {  	s6 =	rddreg [dreg:$0x6]  }
0x14: {  	s0 =	rddreg [dreg:$0x4];
	s6 =	sadd.s32 $0x1, s6  }
0x15: {  	p0 =	sne.s32 s6, s0  }
.Ltmp1:
0x16: {  	_ = 	snop;
	(pc) =	sbr.rel @!p0 .LBB2_31-.Ltmp1, $3  }
0x17: {  	_ =	sdelay $0x1  }
0x18: {  	[sflag:s3] =	ssyncset.done $0x0  }
0x19: {  	[sflag:s3] =	ssyncadd.s32 $0xFFFFE000  }
.LBB2_1:
0x1a: {  	[dreg:$0x6] =	wrdreg s6  }
0x1b: {  	s3 =	simm.s32 $0x0;
	s0 =	rddreg [dreg:$0x3];
	s14 =	simm.s32 $0xA  }
0x1c: {  	[tilespmem:s3], [sflag:$0xA] =	stream.linear.gather [hbm4b:s0+s3], $0x6400, $0x38;
	[tilespmem:$0x1CE20] =	vst v63  }
0x1d: {  	_ =	swait.ge [sflag:s14], $0x6400  }
0x1e: {  	[sflag:s14] =	ssyncset.done $0x0  }
0x1f: {  	s16 =	simm.s32 $0x0;
	[sflag:s14] =	ssyncadd.s32 $0xFFFF9C00  }
0x20: {  	v3 =	vld [tilespmem:s16+$0x0];
	_ =	sdelay $0x4  }
0x21: {  	vm0 =	vlt.s32 v3, $0x7A120  }
0x22: {  	v4 =	vmpcnt.ones.xlane vm0;
	_ =	sdelay $0x1  }
0x23: {  	(v2sf) =	vpush v4, $0x0;
	v4 =	vsel vm0, $0x1, v1  }
0x24: {  	(xrf0) =	vadd.scan.msk.s32 $0xffff, v4;
	_ =	sdelay $0x1  }
0x25: {  	v4 =	vmov s3  }
0x26: {  	v5 =	vadd.s32 s10, v2;
	v4 =	vadd.s32 $0xFFFFFFFF, v4  }
0x27: {  	v4 =	vbroadcast v4, $0x0;
	_ =	sdelay $0x1  }
0x28: {  	v4 =	vsel vm0, v4, v5;
	v5, _, _ =	vpop (xrf0)  }
0x29: {  	v4 =	vadd.s32 v5, v4;
	_ =	sdelay $0x2  }
0x2a: {  	v5 =	vadd.s32 $0xFFF85EE0, v3  }
0x2b: {  	s8 =	rddreg [dreg:$0x5];
	v3 =	vsel vm0, v3, v5  }
0x2c: {  	v5 =	vor.u32 s8, v0;
	[tilespmem:v4+s10+$0x0] =	vst.idx.msk $0xffff, v3  }
0x2d: {  	s17 =	simm.s32 $0x10;
	[tilespmem:v4+s11+$0x0] =	vst.idx.msk $0xffff, v5  }
0x2e: {  	v3 =	vld [tilespmem:s17+$0x0]  }
0x2f: {  	s7 =	simm.s32 $0x80;
	s21 =	spop (v2sf)  }
0x30: {  	s3 =	smov.u32 s8;
	s6 =	sadd.s32 $0x0, s21;
	s0 =	sadd.s32 $0x6400, s21  }
.LBB2_2:
0x31: {  	s0 =	sadd.s32 $0xFFFFFFF0, s0  }
0x32: {  	s3 =	sadd.s32 $0x10, s3;
	s8 =	smov.u32 s7;
	s9 =	sadd.s32 $0x40, s7  }
0x33: {  	p0 =	sne.s32 s7, $0x18FC0;
	vm0 =	vlt.s32 v3, $0x7A120;
	v4 =	vadd.s32 $0xFFF85EE0, v3  }
0x34: {  	v3 =	vsel vm0, v3, v4;
	v4 =	vmpcnt.ones.xlane vm0;
	v5 =	vsel vm0, $0x1, v1  }
0x35: {  	(xrf0) =	vadd.scan.msk.s32 $0xffff, v5  }
0x36: {  	(v2sf) =	vpush v4, $0x0  }
0x37: {  	v4 =	vmov s6  }
0x38: {  	v4 =	vadd.s32 $0xFFFFFFFF, v4  }
0x39: {  	v4 =	vbroadcast v4, $0x0  }
0x3a: {  	v6 =	vadd.s32 s0, v2  }
0x3b: {  	v4 =	vsel vm0, v4, v6;
	v5, _, _ =	vpop (xrf0)  }
0x3c: {  	v4 =	vadd.s32 v5, v4;
	_ =	sdelay $0x4  }
0x3d: {  	v5 =	vor.u32 s3, v0;
	[tilespmem:v4+s10+$0x0] =	vst.idx.msk $0xffff, v3  }
.Ltmp2:
0x3e: {  	s7 =	sshra.s32 s8, $0x2;
	[tilespmem:v4+s11+$0x0] =	vst.idx.msk $0xffff, v5;
	(pc) =	sbr.rel @p0 .LBB2_2-.Ltmp2, $3  }
0x3f: {  	v3 =	vld [tilespmem:s7+$0x0];
	_ =	sdelay $0x1  }
0x40: {  	s7 =	spop (v2sf)  }
0x41: {  	s6 =	sadd.s32 s6, s7;
	s0 =	sadd.s32 s7, s0;
	s7 =	smov.u32 s9  }
0x42: {  	_ = 	snop  }
0x43: {  	vm0 =	vlt.s32 v3, $0x7A120  }
0x44: {  	v4 =	vmpcnt.ones.xlane vm0;
	_ =	sdelay $0x1  }
0x45: {  	(v2sf) =	vpush v4, $0x0;
	_ =	sdelay $0x9  }
0x46: {  	v59 =	vsel vm0, $0x1, v1  }
0x47: {  	(xrf0) =	vadd.scan.msk.s32 $0xffff, v59;
	_ =	sdelay $0x1  }
0x48: {  	v60 =	vmov s6  }
0x49: {  	v4 =	vadd.s32 $0xFFFFFFFF, v60  }
0x4a: {  	s0 =	sadd.s32 $0xFFFFFFF0, s0;
	v4 =	vbroadcast v4, $0x0;
	s17 =	spop (v2sf)  }
0x4b: {  	v5 =	vadd.s32 s0, v2;
	s14 =	sadd.s32 s6, s17  }
0x4c: {  	v4 =	vsel vm0, v4, v5;
	v61, _, _ =	vpop (xrf0);
	p0 =	sgt.s32 s14, $0x7F  }
0x4d: {  	v4 =	vadd.s32 v61, v4;
	p1 =	slt.s32 @!p0 s14, $0x1  }
0x4e: {  	p1 =	por p0, p1  }
.Ltmp3:
0x4f: {  	_ = 	snop;
	(pc) =	sbr.rel @p1 .LBB2_5-.Ltmp3, $4  }
0x50: {  	v62 =	vadd.s32 $0xFFF85EE0, v3  }
0x51: {  	s21 =	sadd.s32 $0x10, s3;
	v3 =	vsel vm0, v3, v62  }
0x52: {  	v63 =	vor.u32 s21, v0;
	[tilespmem:v4+s10+$0x0] =	vst.idx.msk $0xffff, v3  }
0x53: {  	[tilespmem:v4+s11+$0x0] =	vst.idx.msk $0xffff, v63  }
0x54: {  	[tilespmem:s13], [sflag:$0x1] =	stream.indirect.gather [hbm4b:s4+s12], $0x40, s10, s12, $0xb8;
	[tilespmem:$0x1CE20] =	vst v63  }
0x55: {  	s0 =	simm.s32 $0x1AE20  }
0x56: {  	[tilespmem:s0], [sflag:$0x9] =	stream.indirect.gather [hbm4b:s5+s12], $0x40, s10, s12, $0xb8;
	[tilespmem:$0x1CE20] =	vst v63  }
0x57: {  	s0 =	smov.u32 s5  }
.LBB2_7:
0x58: {  	s3 =	simm.s32 $0x6480  }
0x59: {  	[tilespmem:s15], [sflag:$0x2] =	stream.indirect.gather [hbm4b:s0+s12], $0x40, s3, s12, $0xb8;
	[tilespmem:$0x1CE20] =	vst v63  }
0x5a: {  	s0 =	sadd.s32 $0xFFFFFF00, s14  }
0x5b: {  	p0 =	slt.s32 s0, $0x80  }
.Ltmp4:
0x5c: {  	_ = 	snop;
	(pc) =	sbr.rel @p0 .LBB2_9-.Ltmp4, $1  }
0x5d: {  	_ =	sdelay $0x3  }
.Ltmp5:
0x5e: {  	(pc) =	sbr.rel .LBB2_12-.Ltmp5, $3  }
0x5f: {  	_ =	sdelay $0x1  }
0x60: {  	s0 =	simm.s32 $0x6500  }
0x61: {  	[tilespmem:s18], [sflag:$0x3] =	stream.indirect.gather [hbm4b:s4+s12], $0x40, s0, s12, $0xb8;
	[tilespmem:$0x1CE20] =	vst v63  }
.LBB2_9:
0x62: {  	p0 =	sgt.s32 s0, $0x0  }
.Ltmp6:
0x63: {  	_ = 	snop;
	(pc) =	sbr.rel @!p0 .LBB2_10-.Ltmp6, $1  }
0x64: {  	_ =	sdelay $0x3  }
.Ltmp7:
0x65: {  	(pc) =	sbr.rel .LBB2_12-.Ltmp7, $4  }
0x66: {  	s3 =	simm.s32 $0x6500  }
0x67: {  	[tilespmem:s18], [sflag:$0x3] =	stream.indirect.gather [hbm4b:s4+s12], $0x40, s3, s12, $0xb8;
	[tilespmem:$0x1CE20] =	vst v63  }
0x68: {  	s0 =	simm.s32 $0x1AE20  }
0x69: {  	[tilespmem:s0], [sflag:$0x9] =	stream.indirect.gather [hbm4b:s5+s12], $0x40, s3, s12, $0xb8;
	[tilespmem:$0x1CE20] =	vst v63  }
.LBB2_5:
0x6a: {  	s0 =	smov.u32 s5  }
0x6b: {  	s0 =	smov.u32 @p0 s4  }
0x6c: {  	[tilespmem:s13], [sflag:$0x1] =	stream.indirect.gather [hbm4b:s0+s12], $0x40, s10, s12, $0xb8;
	[tilespmem:$0x1CE20] =	vst v63  }
0x6d: {  	s0 =	sadd.s32 $0xFFFFFF80, s14  }
0x6e: {  	p0 =	sgt.s32 s0, $0x7F  }
0x6f: {  	p1 =	slt.s32 @!p0 s0, $0x1  }
0x70: {  	p1 =	por p0, p1  }
.Ltmp8:
0x71: {  	_ = 	snop;
	(pc) =	sbr.rel @p1 .LBB2_6-.Ltmp8, $1  }
0x72: {  	_ =	sdelay $0x3  }
0x73: {  	s0 =	simm.s32 $0x6480  }
0x74: {  	[tilespmem:s15], [sflag:$0x2] =	stream.indirect.gather [hbm4b:s4+s12], $0x40, s0, s12, $0xb8;
	[tilespmem:$0x1CE20] =	vst v63  }
0x75: {  	s3 =	simm.s32 $0x1AE20  }
0x76: {  	[tilespmem:s3], [sflag:$0x9] =	stream.indirect.gather [hbm4b:s5+s12], $0x40, s0, s12, $0xb8;
	[tilespmem:$0x1CE20] =	vst v63  }
.LBB2_10:
0x77: {  	s0 =	simm.s32 $0x6500  }
0x78: {  	[tilespmem:s18], [sflag:$0x3] =	stream.indirect.gather [hbm4b:s5+s12], $0x40, s0, s12, $0xb8;
	[tilespmem:$0x1CE20] =	vst v63  }
.LBB2_12:
.Ltmp9:
0x79: {  	(pc) =	sbr.rel .LBB2_13-.Ltmp9, $2  }
0x7a: {  	_ =	sdelay $0x2  }
0x7b: {  	s17 =	simm.s32 $0x0  }
.LBB2_29:
0x7c: {  	v3 =	vld [tilespmem:s3+$0xC810];
	_ =	sdelay $0x4  }
0x7d: {  	[tilespmem:$0x12DA0] =	vst v3  }
0x7e: {  	v3 =	vld [tilespmem:s3+$0xC820];
	_ =	sdelay $0x4  }
0x7f: {  	[tilespmem:$0x12DB0] =	vst v3  }
0x80: {  	v3 =	vld [tilespmem:s3+$0xC830];
	_ =	sdelay $0x4  }
0x81: {  	[tilespmem:$0x12DC0] =	vst v3  }
0x82: {  	v3 =	vld [tilespmem:s3+$0xC840];
	_ =	sdelay $0x4  }
0x83: {  	[tilespmem:$0x12DD0] =	vst v3  }
0x84: {  	v3 =	vld [tilespmem:s3+$0xC850];
	_ =	sdelay $0x4  }
0x85: {  	[tilespmem:$0x12DE0] =	vst v3  }
0x86: {  	v3 =	vld [tilespmem:s3+$0xC860];
	_ =	sdelay $0x4  }
0x87: {  	[tilespmem:$0x12DF0] =	vst v3  }
0x88: {  	v3 =	vld [tilespmem:s3+$0xC870];
	_ =	sdelay $0x4  }
0x89: {  	[tilespmem:$0x12E00] =	vst v3  }
0x8a: {  	s17 =	sadd.s32 $0x1, s17;
	v3 =	vld [tilespmem:s3+$0xC880]  }
0x8b: {  	p0 =	sne.s32 s17, $0x32  }
.Ltmp10:
0x8c: {  	_ = 	snop;
	(pc) =	sbr.rel @!p0 .LBB2_30-.Ltmp10, $3  }
0x8d: {  	_ =	sdelay $0x1  }
0x8e: {  	[tilespmem:$0x12E10] =	vst v3  }
0x8f: {  	[hbm4b:s2+s12] =	stream.indirect.scatter [tilespmem:s1], [sflag:$0x8], $0x40, s31, s12, $0xb8;
	[tilespmem:$0x1CE20] =	vst v63  }
.LBB2_13:
0x90: {  	s7 =	sshll.u32 s17, $0x9  }
0x91: {  	p1 =	seq.s32 s17, $0x0;
	s3 =	sor.u32 $0x180, s7  }
0x92: {  	s0 =	simm.s32 @!p1 $0x8;
	s6 =	ssub.s32 s14, s3  }
0x93: {  	_ =	swait.ge @!p1 [sflag:s0], $0x2000;
	p0 =	slt.s32 s6, $0x80  }
0x94: {  	[sflag:s0] =	ssyncset.done @!p1 $0x0;
	p2 =	sgt.s32 @p0 s6, $0x0  }
0x95: {  	[sflag:s0] =	ssyncadd.s32 @!p1 $0xFFFFE000;
	p1 =	por !p2, !p0  }
0x96: {  	s0 =	sadd.s32 @p0 $0x6400, s3;
	s8 =	simm.s32 @!p1 $0x80;
	s9 =	simm.s32 @!p1 $0x18E20  }
0x97: {  	[tilespmem:s9], [sflag:$0x4] =	stream.indirect.gather @!p1 [hbm4b:s4+s8], $0x40, s0, s8, $0xb8;
	[tilespmem:$0x1CE20] =	vst v63  }
0x98: {  	p2 =	por p2, !p0;
	s9 =	simm.s32 @!p1 $0x1AE20  }
0x99: {  	[tilespmem:s9], [sflag:$0x9] =	stream.indirect.gather @!p1 [hbm4b:s5+s8], $0x40, s0, s8, $0xb8;
	[tilespmem:$0x1CE20] =	vst v63  }
0x9a: {  	s8 =	simm.s32 @!p2 $0x80;
	s9 =	simm.s32 @!p2 $0x18E20  }
0x9b: {  	[tilespmem:s9], [sflag:$0x4] =	stream.indirect.gather @!p2 [hbm4b:s5+s8], $0x40, s0, s8, $0xb8;
	[tilespmem:$0x1CE20] =	vst v63  }
0x9c: {  	s0 =	sadd.s32 @!p0 $0x6400, s3;
	s8 =	simm.s32 @!p0 $0x80;
	s9 =	simm.s32 @!p0 $0x18E20  }
0x9d: {  	[tilespmem:s9], [sflag:$0x4] =	stream.indirect.gather @!p0 [hbm4b:s4+s8], $0x40, s0, s8, $0xb8;
	[tilespmem:$0x1CE20] =	vst v63  }
0x9e: {  	s9 =	ssub.s32 s14, s7  }
0x9f: {  	s21 =	sadd.s32 $0xFFFFFFFF, s9  }
0xa0: {  	s16 =	simm.s32 @!p2 $0x0;
	p3 =	sgt.u32 s21, $0x7E  }
.Ltmp11:
0xa1: {  	s16 =	simm.s32 @p2 $0x1;
	(pc) =	sbr.rel @p3 .LBB2_17-.Ltmp11, $4  }
0xa2: {  	[smem:$0x7FD] =	sst s16  }
0xa3: {  	_ =	swait.ge [sflag:s19], $0x2000  }
0xa4: {  	[sflag:s19] =	ssyncset.done $0x0  }
0xa5: {  	[sflag:s19] =	ssyncadd.s32 $0xFFFFE000  }
0xa6: {  	_ =	swait.ge [sflag:s20], $0x2000  }
0xa7: {  	[sflag:s20] =	ssyncset.done $0x0  }
0xa8: {  	s0 =	simm.s32 $0x1AE40;
	p3 =	sgt.s32 s9, $0x0;
	[sflag:s20] =	ssyncadd.s32 $0xFFFFE000  }
0xa9: {  	v3 =	vld @!p3 [tilespmem:s0+$0xFFFFFFE0];
	_ =	sdelay $0x3  }
0xaa: {  	s8 =	simm.s32 $0x12E40  }
0xab: {  	[tilespmem:s8+$0xFFFFFFE0] =	vst @!p3 v3  }
0xac: {  	v3 =	vld @!p3 [tilespmem:s0+$0xFFFFFFF0];
	_ =	sdelay $0x4  }
0xad: {  	[tilespmem:s8+$0xFFFFFFF0] =	vst @!p3 v3  }
0xae: {  	v3 =	vld @!p3 [tilespmem:s0+$0x0];
	_ =	sdelay $0x4  }
0xaf: {  	[tilespmem:s8+$0x0] =	vst @!p3 v3  }
0xb0: {  	s16 =	simm.s32 $0x1;
	v3 =	vld @!p3 [tilespmem:s0+$0x10]  }
.LBB2_15:
0xb1: {  	_ =	sdelay $0x3  }
0xb2: {  	s0 =	sadd.s32 $0x40, s0;
	[tilespmem:s8+$0x10] =	vst @!p3 v3;
	p3 =	slt.s32 s16, s9;
	s16 =	sadd.s32 $0x1, s16  }
0xb3: {  	v3 =	vld @!p3 [tilespmem:s0+$0xFFFFFFE0];
	p4 =	sne.s32 s16, $0x80;
	_ =	sdelay $0x3  }
0xb4: {  	s8 =	sadd.s32 $0x40, s8  }
0xb5: {  	[tilespmem:s8+$0xFFFFFFE0] =	vst @!p3 v3  }
0xb6: {  	v3 =	vld @!p3 [tilespmem:s0+$0xFFFFFFF0];
	_ =	sdelay $0x4  }
0xb7: {  	[tilespmem:s8+$0xFFFFFFF0] =	vst @!p3 v3  }
0xb8: {  	v3 =	vld @!p3 [tilespmem:s0+$0x0];
	_ =	sdelay $0x1  }
.Ltmp12:
0xb9: {  	(pc) =	sbr.rel @p4 .LBB2_15-.Ltmp12, $3  }
0xba: {  	_ =	sdelay $0x1  }
0xbb: {  	[tilespmem:s8+$0x0] =	vst @!p3 v3  }
0xbc: {  	v3 =	vld @!p3 [tilespmem:s0+$0x10]  }
0xbd: {  	_ =	sdelay $0x3  }
0xbe: {  	[tilespmem:s8+$0x10] =	vst @!p3 v3  }
.LBB2_17:
0xbf: {  	v3 =	vld [tilespmem:s7+$0xC810];
	_ =	sdelay $0x4  }
0xc0: {  	[tilespmem:$0x12C20] =	vst v3  }
0xc1: {  	v3 =	vld [tilespmem:s7+$0xC820];
	_ =	sdelay $0x4  }
0xc2: {  	[tilespmem:$0x12C30] =	vst v3  }
0xc3: {  	v3 =	vld [tilespmem:s7+$0xC830];
	_ =	sdelay $0x4  }
0xc4: {  	[tilespmem:$0x12C40] =	vst v3  }
0xc5: {  	v3 =	vld [tilespmem:s7+$0xC840];
	_ =	sdelay $0x4  }
0xc6: {  	[tilespmem:$0x12C50] =	vst v3  }
0xc7: {  	v3 =	vld [tilespmem:s7+$0xC850];
	_ =	sdelay $0x4  }
0xc8: {  	[tilespmem:$0x12C60] =	vst v3  }
0xc9: {  	v3 =	vld [tilespmem:s7+$0xC860];
	_ =	sdelay $0x4  }
0xca: {  	[tilespmem:$0x12C70] =	vst v3  }
0xcb: {  	v3 =	vld [tilespmem:s7+$0xC870];
	_ =	sdelay $0x4  }
0xcc: {  	[tilespmem:$0x12C80] =	vst v3  }
0xcd: {  	v3 =	vld [tilespmem:s7+$0xC880];
	_ =	sdelay $0x4  }
0xce: {  	s0 =	simm.s32 $0x12C20;
	p3 =	seq.s32 s17, $0x31;
	[tilespmem:$0x12C90] =	vst v3  }
0xcf: {  	[hbm4b:s2+s12] =	stream.indirect.scatter [tilespmem:s13], [sflag:$0x5], $0x40, s0, s12, $0xb8;
	[tilespmem:$0x1CE20] =	vst v63  }
0xd0: {  	s0 =	sadd.s32 @!p3 $0x200, s7  }
0xd1: {  	s8 =	ssub.s32 @!p3 s14, s0  }
0xd2: {  	p4 =	slt.s32 @!p3 s8, $0x80  }
0xd3: {  	p5 =	por !p4, p3  }
0xd4: {  	_ =	swait.ge [sflag:s22], $0x2000;
	p6 =	sgt.s32 @!p5 s8, $0x0  }
0xd5: {  	[sflag:s22] =	ssyncset.done $0x0;
	p2 =	por @!p3 !p6, !p4  }
0xd6: {  	[sflag:s22] =	ssyncadd.s32 $0xFFFFE000;
	p2 =	por p2, p3  }
0xd7: {  	s8 =	sadd.s32 @!p5 $0x6400, s0;
	s9 =	simm.s32 @!p2 $0x80;
	s16 =	simm.s32 @!p2 $0x12E20  }
0xd8: {  	[tilespmem:s16], [sflag:$0x1] =	stream.indirect.gather @!p2 [hbm4b:s4+s9], $0x40, s8, s9, $0xb8;
	[tilespmem:$0x1CE20] =	vst v63  }
0xd9: {  	s16 =	simm.s32 @!p2 $0x1AE20  }
0xda: {  	[tilespmem:s16], [sflag:$0x9] =	stream.indirect.gather @!p2 [hbm4b:s5+s9], $0x40, s8, s9, $0xb8;
	[tilespmem:$0x1CE20] =	vst v63  }
0xdb: {  	p2 =	por @!p3 p6, !p4  }
0xdc: {  	p2 =	por p2, p3  }
0xdd: {  	s9 =	simm.s32 @!p2 $0x80;
	s16 =	simm.s32 @!p2 $0x12E20  }
0xde: {  	[tilespmem:s16], [sflag:$0x1] =	stream.indirect.gather @!p2 [hbm4b:s5+s9], $0x40, s8, s9, $0xb8;
	[tilespmem:$0x1CE20] =	vst v63  }
0xdf: {  	p2 =	por p4, p3  }
0xe0: {  	s0 =	sadd.s32 @!p2 $0x6400, s0;
	s8 =	simm.s32 @!p2 $0x80;
	s9 =	simm.s32 @!p2 $0x12E20  }
0xe1: {  	[tilespmem:s9], [sflag:$0x1] =	stream.indirect.gather @!p2 [hbm4b:s4+s8], $0x40, s0, s8, $0xb8;
	[tilespmem:$0x1CE20] =	vst v63  }
0xe2: {  	s9 =	sor.u32 $0x80, s7  }
0xe3: {  	s0 =	ssub.s32 s14, s9  }
0xe4: {  	s21 =	sadd.s32 $0xFFFFFFFF, s0  }
0xe5: {  	p2 =	sgt.u32 s21, $0x7E  }
.Ltmp13:
0xe6: {  	_ = 	snop;
	(pc) =	sbr.rel @p2 .LBB2_21-.Ltmp13, $4  }
0xe7: {  	_ = 	snop  }
0xe8: {  	_ =	swait.ge [sflag:s23], $0x2000  }
0xe9: {  	[sflag:s23] =	ssyncset.done $0x0  }
0xea: {  	[sflag:s23] =	ssyncadd.s32 $0xFFFFE000  }
0xeb: {  	_ =	swait.ge [sflag:s20], $0x2000  }
0xec: {  	[sflag:s20] =	ssyncset.done $0x0  }
0xed: {  	s8 =	simm.s32 $0x1AE40;
	p4 =	sgt.s32 s0, $0x0;
	[sflag:s20] =	ssyncadd.s32 $0xFFFFE000  }
0xee: {  	v3 =	vld @!p4 [tilespmem:s8+$0xFFFFFFE0];
	_ =	sdelay $0x3  }
0xef: {  	s16 =	simm.s32 $0x14E40  }
0xf0: {  	[tilespmem:s16+$0xFFFFFFE0] =	vst @!p4 v3  }
0xf1: {  	v3 =	vld @!p4 [tilespmem:s8+$0xFFFFFFF0];
	_ =	sdelay $0x4  }
0xf2: {  	[tilespmem:s16+$0xFFFFFFF0] =	vst @!p4 v3  }
0xf3: {  	v3 =	vld @!p4 [tilespmem:s8+$0x0];
	_ =	sdelay $0x4  }
0xf4: {  	[tilespmem:s16+$0x0] =	vst @!p4 v3  }
0xf5: {  	s21 =	simm.s32 $0x1;
	v3 =	vld @!p4 [tilespmem:s8+$0x10]  }
.LBB2_19:
0xf6: {  	_ =	sdelay $0x3  }
0xf7: {  	s8 =	sadd.s32 $0x40, s8;
	[tilespmem:s16+$0x10] =	vst @!p4 v3;
	p4 =	slt.s32 s21, s0;
	s21 =	sadd.s32 $0x1, s21  }
0xf8: {  	v3 =	vld @!p4 [tilespmem:s8+$0xFFFFFFE0];
	p5 =	sne.s32 s21, $0x80;
	_ =	sdelay $0x3  }
0xf9: {  	s16 =	sadd.s32 $0x40, s16  }
0xfa: {  	[tilespmem:s16+$0xFFFFFFE0] =	vst @!p4 v3  }
0xfb: {  	v3 =	vld @!p4 [tilespmem:s8+$0xFFFFFFF0];
	_ =	sdelay $0x4  }
0xfc: {  	[tilespmem:s16+$0xFFFFFFF0] =	vst @!p4 v3  }
0xfd: {  	v3 =	vld @!p4 [tilespmem:s8+$0x0];
	_ =	sdelay $0x1  }
.Ltmp14:
0xfe: {  	(pc) =	sbr.rel @p5 .LBB2_19-.Ltmp14, $3  }
0xff: {  	_ =	sdelay $0x1  }
0x100: {  	[tilespmem:s16+$0x0] =	vst @!p4 v3  }
0x101: {  	v3 =	vld @!p4 [tilespmem:s8+$0x10]  }
0x102: {  	_ =	sdelay $0x3  }
0x103: {  	[tilespmem:s16+$0x10] =	vst @!p4 v3  }
.LBB2_21:
0x104: {  	v3 =	vld [tilespmem:s9+$0xC810];
	_ =	sdelay $0x4  }
0x105: {  	[tilespmem:$0x12CA0] =	vst v3  }
0x106: {  	v3 =	vld [tilespmem:s7+$0xC8A0];
	_ =	sdelay $0x4  }
0x107: {  	[tilespmem:$0x12CB0] =	vst v3  }
0x108: {  	v3 =	vld [tilespmem:s7+$0xC8B0];
	_ =	sdelay $0x4  }
0x109: {  	[tilespmem:$0x12CC0] =	vst v3  }
0x10a: {  	v3 =	vld [tilespmem:s7+$0xC8C0];
	_ =	sdelay $0x4  }
0x10b: {  	[tilespmem:$0x12CD0] =	vst v3  }
0x10c: {  	v3 =	vld [tilespmem:s7+$0xC8D0];
	_ =	sdelay $0x4  }
0x10d: {  	[tilespmem:$0x12CE0] =	vst v3  }
0x10e: {  	v3 =	vld [tilespmem:s7+$0xC8E0];
	_ =	sdelay $0x4  }
0x10f: {  	[tilespmem:$0x12CF0] =	vst v3  }
0x110: {  	v3 =	vld [tilespmem:s7+$0xC8F0];
	_ =	sdelay $0x4  }
0x111: {  	[tilespmem:$0x12D00] =	vst v3  }
0x112: {  	v3 =	vld [tilespmem:s7+$0xC900]  }
0x113: {  	s0 =	sadd.s32 @!p3 $0x280, s7  }
0x114: {  	s8 =	ssub.s32 @!p3 s14, s0  }
0x115: {  	p4 =	slt.s32 @!p3 s8, $0x80  }
0x116: {  	p2 =	por !p4, p3  }
0x117: {  	p5 =	sgt.s32 @!p2 s8, $0x0;
	[tilespmem:$0x12D10] =	vst v3  }
0x118: {  	[hbm4b:s2+s12] =	stream.indirect.scatter [tilespmem:s15], [sflag:$0x6], $0x40, s24, s12, $0xb8;
	[tilespmem:$0x1CE20] =	vst v63  }
0x119: {  	p6 =	por @!p3 !p5, !p4;
	_ =	swait.ge [sflag:s25], $0x2000  }
0x11a: {  	s8 =	sadd.s32 @!p2 $0x6400, s0;
	p2 =	por p6, p3;
	[sflag:s25] =	ssyncset.done $0x0  }
0x11b: {  	s9 =	simm.s32 @!p2 $0x80;
	s16 =	simm.s32 @!p2 $0x14E20;
	[sflag:s25] =	ssyncadd.s32 $0xFFFFE000  }
0x11c: {  	[tilespmem:s16], [sflag:$0x2] =	stream.indirect.gather @!p2 [hbm4b:s4+s9], $0x40, s8, s9, $0xb8;
	[tilespmem:$0x1CE20] =	vst v63  }
0x11d: {  	s16 =	simm.s32 @!p2 $0x1AE20  }
0x11e: {  	[tilespmem:s16], [sflag:$0x9] =	stream.indirect.gather @!p2 [hbm4b:s5+s9], $0x40, s8, s9, $0xb8;
	[tilespmem:$0x1CE20] =	vst v63  }
0x11f: {  	p2 =	por @!p3 p5, !p4  }
0x120: {  	p2 =	por p2, p3  }
0x121: {  	s9 =	simm.s32 @!p2 $0x80;
	s16 =	simm.s32 @!p2 $0x14E20  }
0x122: {  	[tilespmem:s16], [sflag:$0x2] =	stream.indirect.gather @!p2 [hbm4b:s5+s9], $0x40, s8, s9, $0xb8;
	[tilespmem:$0x1CE20] =	vst v63  }
0x123: {  	p2 =	por p4, p3  }
0x124: {  	s0 =	sadd.s32 @!p2 $0x6400, s0;
	s8 =	simm.s32 @!p2 $0x80;
	s9 =	simm.s32 @!p2 $0x14E20  }
0x125: {  	[tilespmem:s9], [sflag:$0x2] =	stream.indirect.gather @!p2 [hbm4b:s4+s8], $0x40, s0, s8, $0xb8;
	[tilespmem:$0x1CE20] =	vst v63  }
0x126: {  	s9 =	sor.u32 $0x100, s7  }
0x127: {  	s0 =	ssub.s32 s14, s9  }
0x128: {  	s21 =	sadd.s32 $0xFFFFFFFF, s0  }
0x129: {  	p2 =	sgt.u32 s21, $0x7E  }
.Ltmp15:
0x12a: {  	_ = 	snop;
	(pc) =	sbr.rel @p2 .LBB2_25-.Ltmp15, $4  }
0x12b: {  	_ = 	snop  }
0x12c: {  	_ =	swait.ge [sflag:s26], $0x2000  }
0x12d: {  	[sflag:s26] =	ssyncset.done $0x0  }
0x12e: {  	[sflag:s26] =	ssyncadd.s32 $0xFFFFE000  }
0x12f: {  	_ =	swait.ge [sflag:s20], $0x2000  }
0x130: {  	[sflag:s20] =	ssyncset.done $0x0  }
0x131: {  	s8 =	simm.s32 $0x1AE40;
	p4 =	sgt.s32 s0, $0x0;
	[sflag:s20] =	ssyncadd.s32 $0xFFFFE000  }
0x132: {  	v3 =	vld @!p4 [tilespmem:s8+$0xFFFFFFE0];
	_ =	sdelay $0x3  }
0x133: {  	s16 =	simm.s32 $0x16E40  }
0x134: {  	[tilespmem:s16+$0xFFFFFFE0] =	vst @!p4 v3  }
0x135: {  	v3 =	vld @!p4 [tilespmem:s8+$0xFFFFFFF0];
	_ =	sdelay $0x4  }
0x136: {  	[tilespmem:s16+$0xFFFFFFF0] =	vst @!p4 v3  }
0x137: {  	v3 =	vld @!p4 [tilespmem:s8+$0x0];
	_ =	sdelay $0x4  }
0x138: {  	[tilespmem:s16+$0x0] =	vst @!p4 v3  }
0x139: {  	s21 =	simm.s32 $0x1;
	v3 =	vld @!p4 [tilespmem:s8+$0x10]  }
.LBB2_23:
0x13a: {  	_ =	sdelay $0x3  }
0x13b: {  	s8 =	sadd.s32 $0x40, s8;
	[tilespmem:s16+$0x10] =	vst @!p4 v3;
	p4 =	slt.s32 s21, s0;
	s21 =	sadd.s32 $0x1, s21  }
0x13c: {  	v3 =	vld @!p4 [tilespmem:s8+$0xFFFFFFE0];
	p5 =	sne.s32 s21, $0x80;
	_ =	sdelay $0x3  }
0x13d: {  	s16 =	sadd.s32 $0x40, s16  }
0x13e: {  	[tilespmem:s16+$0xFFFFFFE0] =	vst @!p4 v3  }
0x13f: {  	v3 =	vld @!p4 [tilespmem:s8+$0xFFFFFFF0];
	_ =	sdelay $0x4  }
0x140: {  	[tilespmem:s16+$0xFFFFFFF0] =	vst @!p4 v3  }
0x141: {  	v3 =	vld @!p4 [tilespmem:s8+$0x0];
	_ =	sdelay $0x1  }
.Ltmp16:
0x142: {  	(pc) =	sbr.rel @p5 .LBB2_23-.Ltmp16, $3  }
0x143: {  	_ =	sdelay $0x1  }
0x144: {  	[tilespmem:s16+$0x0] =	vst @!p4 v3  }
0x145: {  	v3 =	vld @!p4 [tilespmem:s8+$0x10]  }
0x146: {  	_ =	sdelay $0x3  }
0x147: {  	[tilespmem:s16+$0x10] =	vst @!p4 v3  }
.LBB2_25:
0x148: {  	v3 =	vld [tilespmem:s9+$0xC810];
	_ =	sdelay $0x4  }
0x149: {  	[tilespmem:$0x12D20] =	vst v3  }
0x14a: {  	v3 =	vld [tilespmem:s7+$0xC920];
	_ =	sdelay $0x4  }
0x14b: {  	[tilespmem:$0x12D30] =	vst v3  }
0x14c: {  	v3 =	vld [tilespmem:s7+$0xC930];
	_ =	sdelay $0x4  }
0x14d: {  	[tilespmem:$0x12D40] =	vst v3  }
0x14e: {  	v3 =	vld [tilespmem:s7+$0xC940];
	_ =	sdelay $0x4  }
0x14f: {  	[tilespmem:$0x12D50] =	vst v3  }
0x150: {  	v3 =	vld [tilespmem:s7+$0xC950];
	_ =	sdelay $0x4  }
0x151: {  	[tilespmem:$0x12D60] =	vst v3  }
0x152: {  	v3 =	vld [tilespmem:s7+$0xC960];
	_ =	sdelay $0x4  }
0x153: {  	[tilespmem:$0x12D70] =	vst v3  }
0x154: {  	v3 =	vld [tilespmem:s7+$0xC970];
	_ =	sdelay $0x4  }
0x155: {  	[tilespmem:$0x12D80] =	vst v3  }
0x156: {  	v3 =	vld [tilespmem:s7+$0xC980]  }
0x157: {  	s0 =	sadd.s32 @!p3 $0x300, s7  }
0x158: {  	s7 =	ssub.s32 @!p3 s14, s0  }
0x159: {  	p4 =	slt.s32 @!p3 s7, $0x80  }
0x15a: {  	p2 =	por !p4, p3  }
0x15b: {  	p5 =	sgt.s32 @!p2 s7, $0x0;
	[tilespmem:$0x12D90] =	vst v3  }
0x15c: {  	[hbm4b:s2+s12] =	stream.indirect.scatter [tilespmem:s18], [sflag:$0x7], $0x40, s28, s12, $0xb8;
	[tilespmem:$0x1CE20] =	vst v63  }
0x15d: {  	p6 =	por @!p3 !p5, !p4;
	_ =	swait.ge [sflag:s29], $0x2000  }
0x15e: {  	s7 =	sadd.s32 @!p2 $0x6400, s0;
	p2 =	por p6, p3;
	[sflag:s29] =	ssyncset.done $0x0  }
0x15f: {  	s8 =	simm.s32 @!p2 $0x80;
	s9 =	simm.s32 @!p2 $0x16E20;
	[sflag:s29] =	ssyncadd.s32 $0xFFFFE000  }
0x160: {  	[tilespmem:s9], [sflag:$0x3] =	stream.indirect.gather @!p2 [hbm4b:s4+s8], $0x40, s7, s8, $0xb8;
	[tilespmem:$0x1CE20] =	vst v63  }
0x161: {  	s9 =	simm.s32 @!p2 $0x1AE20  }
0x162: {  	[tilespmem:s9], [sflag:$0x9] =	stream.indirect.gather @!p2 [hbm4b:s5+s8], $0x40, s7, s8, $0xb8;
	[tilespmem:$0x1CE20] =	vst v63  }
0x163: {  	p2 =	por @!p3 p5, !p4  }
0x164: {  	s21 =	sld [smem:$0x7FD];
	p2 =	por p2, p3  }
0x165: {  	s8 =	simm.s32 @!p2 $0x80;
	s9 =	simm.s32 @!p2 $0x16E20  }
0x166: {  	[tilespmem:s9], [sflag:$0x3] =	stream.indirect.gather @!p2 [hbm4b:s5+s8], $0x40, s7, s8, $0xb8;
	[tilespmem:$0x1CE20] =	vst v63  }
0x167: {  	p2 =	por p4, p3;
	p4 =	seq.s32 s21, $0x1  }
0x168: {  	p3 =	por @!p1 $0x1, $0x1;
	p4 =	por @!p4 $0x0, $0x0  }
0x169: {  	p4 =	por @!p1 p3, p3;
	p1 =	por @!p0 $0x0, $0x0  }
0x16a: {  	s0 =	sadd.s32 @!p2 $0x6400, s0;
	p4 =	por @!p0 p1, p1  }
.Ltmp17:
0x16b: {  	s7 =	simm.s32 @!p2 $0x80;
	s8 =	simm.s32 @!p2 $0x16E20;
	(pc) =	sbr.rel @!p4 .LBB2_29-.Ltmp17, $4  }
0x16c: {  	[tilespmem:s8], [sflag:$0x3] =	stream.indirect.gather @!p2 [hbm4b:s4+s7], $0x40, s0, s7, $0xb8;
	[tilespmem:$0x1CE20] =	vst v63  }
0x16d: {  	_ =	swait.ge [sflag:s30], $0x2000  }
0x16e: {  	[sflag:s30] =	ssyncset.done $0x0  }
0x16f: {  	[sflag:s30] =	ssyncadd.s32 $0xFFFFE000  }
0x170: {  	_ =	swait.ge [sflag:s20], $0x2000  }
0x171: {  	[sflag:s20] =	ssyncset.done $0x0  }
0x172: {  	s0 =	simm.s32 $0x1AE40;
	p0 =	sgt.s32 s6, $0x0;
	[sflag:s20] =	ssyncadd.s32 $0xFFFFE000  }
0x173: {  	v3 =	vld @!p0 [tilespmem:s0+$0xFFFFFFE0];
	_ =	sdelay $0x3  }
0x174: {  	s7 =	simm.s32 $0x18E40  }
0x175: {  	[tilespmem:s7+$0xFFFFFFE0] =	vst @!p0 v3  }
0x176: {  	v3 =	vld @!p0 [tilespmem:s0+$0xFFFFFFF0];
	_ =	sdelay $0x4  }
0x177: {  	[tilespmem:s7+$0xFFFFFFF0] =	vst @!p0 v3  }
0x178: {  	v3 =	vld @!p0 [tilespmem:s0+$0x0];
	_ =	sdelay $0x4  }
0x179: {  	[tilespmem:s7+$0x0] =	vst @!p0 v3  }
0x17a: {  	s8 =	simm.s32 $0x1;
	v3 =	vld @!p0 [tilespmem:s0+$0x10]  }
.LBB2_27:
0x17b: {  	_ =	sdelay $0x3  }
0x17c: {  	s0 =	sadd.s32 $0x40, s0;
	[tilespmem:s7+$0x10] =	vst @!p0 v3;
	p0 =	slt.s32 s8, s6;
	s8 =	sadd.s32 $0x1, s8  }
0x17d: {  	v3 =	vld @!p0 [tilespmem:s0+$0xFFFFFFE0];
	p1 =	sne.s32 s8, $0x80;
	_ =	sdelay $0x3  }
0x17e: {  	s7 =	sadd.s32 $0x40, s7  }
0x17f: {  	[tilespmem:s7+$0xFFFFFFE0] =	vst @!p0 v3  }
0x180: {  	v3 =	vld @!p0 [tilespmem:s0+$0xFFFFFFF0];
	_ =	sdelay $0x4  }
0x181: {  	[tilespmem:s7+$0xFFFFFFF0] =	vst @!p0 v3  }
0x182: {  	v3 =	vld @!p0 [tilespmem:s0+$0x0];
	_ =	sdelay $0x1  }
.Ltmp18:
0x183: {  	(pc) =	sbr.rel @p1 .LBB2_27-.Ltmp18, $3  }
0x184: {  	_ =	sdelay $0x1  }
0x185: {  	[tilespmem:s7+$0x0] =	vst @!p0 v3  }
0x186: {  	v3 =	vld @!p0 [tilespmem:s0+$0x10]  }
.Ltmp19:
0x187: {  	_ = 	snop;
	(pc) =	sbr.rel .LBB2_29-.Ltmp19, $2  }
0x188: {  	_ =	sdelay $0x2  }
0x189: {  	[tilespmem:s7+$0x10] =	vst @!p0 v3  }
.LBB2_6:
.Ltmp20:
0x18a: {  	(pc) =	sbr.rel .LBB2_7-.Ltmp20, $3  }
0x18b: {  	_ =	sdelay $0x1  }
0x18c: {  	s0 =	smov.u32 s5  }
0x18d: {  	s0 =	smov.u32 @p0 s4  }
.LBB2_31:
0x18e: {  	_ =	sfence.sel $0x180000  }
0x18f: {  	[bflag:$0x0] =	sbarrier.arrive $0xFFFF  }
0x190: {  	_ =	strace $0x90000047  }
0x191: {  	s0 =	stileid.u32;
	[bflag:$0x2] =	sbarrier.arrive $0xFFFF  }
0x192: {  	p0 =	sne.s32 s0, $0x0;
	s0 =	rddreg [dreg:$0x2]  }
0x193: {  	s0 =	sadd.s32 @!p0 $0x100000, s0  }
0x194: {  	[sflag:s0] =	ssyncadd.tile.s32 @!p0 $0x1;
	_ =	shalt  }
.Lfunc_end2:
_tile_overlayer_lowered:
.L_overlay_start_2:
0x195: {  	(tag) =	ssettag $0x2  }
0x196: {  	s0 =	rddreg [dreg:$0x0];
	s2 =	stileid.u32  }
0x197: {  	s1 =	rddreg [dreg:$0x1];
	p0 =	sne.s32 s2, $0x0  }
0x198: {  	s3 =	rddreg [dreg:$0x2];
	[bflag:$0x3] =	sbarrier.arrive $0xFFFF;
	s2 =	simm.s32 @!p0 $0x1C0A  }
0x199: {  	[timem:s3], [sflag:s2] =	dma.local @!p0 [hbm:s0], s1  }
0x19a: {  	s0 =	simm.s32 @!p0 $0xA  }
0x19b: {  	_ =	swait.ge @!p0 [sflag:s0], s1  }
0x19c: {  	s1 =	ssub.s32 @!p0 $0x0, s1;
	[sflag:s0] =	ssyncset.done @!p0 $0x0  }
0x19d: {  	[sflag:s0] =	ssyncadd.s32 @!p0 s1  }
0x19e: {  	[bflag:$0x3] =	sbarrier.arrive $0xFFFF  }
0x19f: {  	_ =	shalt  }

// kernel: sparse-core-data-format-call.cloned.1.call-start
scs
called_computation_lowered:
.L_overlay_start_0:
0x0: {  	s2 =	sld [smem:$0x3FD9]  }
0x1: {  	s3 =	sld [smem:$0x3FFE];
	_ =	sdelay $0x1  }
0x2: {  	s1 =	srdreg.scid  }
0x3: {  	s0 =	sand.u32 $0x1, s1  }
0x4: {  	s18 =	sshll.u32 s0, $0xA;
	s2 =	sadd.s32 s3, s2  }
0x5: {  	s2 =	sadd.s32 s2, s18  }
0x6: {  	[smem:$0x3FC5] =	sst s2  }
0x7: {  	_ = 	snop  }
0x8: {  	s2 =	sld [smem:$0x3FD0];
	(tm) =	ssettm $0x1  }
0x9: {  	s19 =	sld [smem:$0x3FFB];
	_ =	sdelay $0x3  }
0xa: {  	_ =	strace s19  }
0xb: {  	s3 =	sld [smem:$0x3FFC];
	_ =	sdelay $0x3  }
0xc: {  	_ =	strace s3  }
0xd: {  	s3 =	sld [smem:$0x3FFD];
	_ =	sdelay $0x3  }
0xe: {  	_ =	strace s3  }
0xf: {  	_ =	strace $0x8FFFFFFF  }
0x10: {  	s20 =	sld [smem:$0x3FDB];
	_ =	sdelay $0x1  }
0x11: {  	s4 =	simm.s32 $_scs_section_size  }
0x12: {  	s5 =	simm.s32 $_size__tile_overlayer_lowered;
	s6 =	simm.s32 $_tile_overlayer_lowered  }
0x13: {  	s23 =	simm.s32 $0x1BFF;
	s22 =	sshll.u32 s6, $0x1;
	s3 =	sadd.s32 s4, s20  }
0x14: {  	s7 =	simm.s32 $0x0;
	s21 =	sshll.u32 s5, $0x1;
	s5 =	sadd.s32 s22, s3  }
0x15: {  	[timem:s7], [sflag:s23] =	dma.local [hbm:s5], s21  }
0x16: {  	_ =	swait.ge [sflag:s23], s21  }
0x17: {  	s4 =	ssub.s32 $0x0, s21;
	[sflag:s23] =	ssyncset.done $0x0  }
0x18: {  	[sflag:s23] =	ssyncadd.s32 s4;
	_ =	sdelay $0x1  }
0x19: {  	s24 =	simm.s32 $0x1B8B  }
0x1a: {  	_ =	swait.ge [sflag:s24], $0x1  }
0x1b: {  	[sflag:s24] =	ssyncset.done $0x0  }
0x1c: {  	s26 =	simm.s32 $0x1B8E;
	s25 =	sld [smem:$0x3FFE];
	[sflag:s24] =	ssyncadd.s32 $0xFFFFFFFF  }
0x1d: {  	s27 =	simm.s32 $execute0_lowered;
	[smem:$0x3FD2] =	sst s26  }
0x1e: {  	s5 =	sshll.u32 s27, $0x1;
	_ =	strace $0x80000049;
	[dreg:$0x1] =	wrdreg $0xFFFFFFFF  }
0x1f: {  	s28 =	simm.s32 $_size_execute0_lowered;
	s3 =	sadd.s32 s3, s5;
	[dreg:$0x0] =	wrdreg $0x0  }
0x20: {  	s5 =	sshll.u32 s28, $0x1;
	[dreg:$0x2] =	wrdreg s3  }
0x21: {  	[dreg:$0x3] =	wrdreg s5  }
0x22: {  	[dreg:$0x4] =	wrdreg $0xC0  }
0x23: {  	_ =	task [dreg:s7], $0x5FFFF  }
0x24: {  	[dreg:$0x1] =	wrdreg $0xFFFFFFFF  }
0x25: {  	[dreg:$0x0] =	wrdreg $0x60  }
0x26: {  	[dreg:$0x2] =	wrdreg s25  }
0x27: {  	[dreg:$0x3] =	wrdreg s2  }
0x28: {  	[dreg:$0x4] =	wrdreg $0x9  }
0x29: {  	_ =	task.clear_ibuf [dreg:s7], $0x5FFFF;
	_ =	strace $0x90000049  }
0x2a: {  	s29 =	simm.s32 $0x9;
	_ =	strace $0x8000004B  }
0x2b: {  	_ =	swait.ge [sflag:s29], $0x1  }
0x2c: {  	[sflag:s29] =	ssyncadd.s32 $0xFFFFFFFF  }
0x2d: {  	_ =	strace $0x9000004B  }
0x2e: {  	_ =	sfence  }
0x2f: {  	s30 =	sld [smem:$0x0];
	_ =	sdelay $0x2  }
0x30: {  	s31 =	sshll.u32 s1, $0xD;
	s1 =	sshrl.u32 s1, $0x2  }
0x31: {  	s3 =	sand.u32 $0x4000, s31;
	s1 =	sadd.s32 s1, s30  }
0x32: {  	s0 =	sor.u32 s3, s0;
	s1 =	sshll.u32 s1, $0x11  }
0x33: {  	s0 =	sor.u32 s1, s0  }
0x34: {  	s0 =	sadd.s32 $0x8F2B, s0  }
0x35: {  	[sflag:s0] =	ssyncadd.remote.s32 $0x1  }
0x36: {  	_ =	sfence.sel $0xFFFF  }
0x37: {  	[dreg:$0x0] =	wrdreg $0xFFFFFFFF;
	(pc) =	sbr.abs _section_cstart, $3  }
0x38: {  	[dreg:$0x1] =	wrdreg $0xFFFFFFFF  }
0x39: {  	_ =	task.clear_ibuf [dreg:s7], $0x2FFFF;
	_ =	strace $0x9FFFFFFF  }
0x3a: {  	(tm) =	ssettm $0x7FFFFFFF  }
0x3b: {  	_ =	shalt  }
tec
execute0_lowered:
.L_overlay_start_1:
0x0: {  	(tag) =	ssettag $0x1  }
0x1: {  	s0 =	srdreg.scid  }
0x2: {  	s1 =	sshll.u32 s0, $0x4  }
0x3: {  	s0 =	stileid.u32;
	s1 =	sand.u32 $0x10, s1  }
0x4: {  	s1 =	sor.u32 s0, s1  }
0x5: {  	s6 =	rddreg [dreg:$0x0];
	s4 =	simm.s32 $0x1;
	s2 =	sshll.u32 s1, $0x7  }
0x6: {  	s7 =	simm.s32 $0x2;
	s12 =	simm.s32 $0x0;
	s1 =	ssub.s32 $0x4000, s2  }
0x7: {  	s8 =	simm.s32 $0x20000;
	s13 =	simm.s32 $0x0;
	s3 =	sand.u32 $0xF80, s1  }
0x8: {  	s9 =	simm.s32 $0x0;
	s5 =	sshrl.u32 s1, $0xC;
	p0 =	sne.s32 s3, $0x0  }
.Ltmp0:
0x9: {  	s1 =	rddreg [dreg:$0x2];
	s4 =	simm.s32 @!p0 $0x0;
	(pc) =	sbr.rel .LBB1_1-.Ltmp0, $4  }
0xa: {  	s11 =	simm.s32 $0x0;
	s3 =	rddreg [dreg:$0x1];
	s5 =	sadd.s32 s4, s5  }
0xb: {  	_ =	strace $0x8000004A;
	s4 =	simm.s32 $0x1;
	s5 =	smul.u32 $0x32, s5  }
0xc: {  	s6 =	sadd.s32 $0x800, s6;
	s10 =	smov.u32 s2;
	[sflag:s4] =	ssyncpa.u1 $0x0  }
0xd: {  	p0 =	por $0x0, $0x0;
	[sflag:s7] =	ssyncpa.u1 $0x0;
	s7 =	sor.u32 $0x1, s5  }
.LBB1_4:
0xe: {  	s16 =	sshll.u32 s13, $0x3;
	s17 =	sand.u32 $0x78, s13  }
0xf: {  	s30 =	sand.u32 $0x1F800, s13;
	s12 =	sshll.u32 s12, $0x11;
	s16 =	sand.u32 $0x3C00, s16  }
0x10: {  	[tilespmem:s15+$0x810 ss:$0x81] =	vst.msk $0xffff, v2;
	s31 =	sand.u32 $0x7, s13;
	s16 =	sor.u32 s17, s16;
	s17 =	sadd.s32 s3, s30  }
0x11: {  	[tilespmem:s15+$0x1020 ss:$0x81] =	vst.msk $0xffff, v0;
	s13 =	sshll.u32 s31, $0x12;
	s12 =	sadd.s32 s12, s17;
	s16 =	sshrl.u32 s16, $0x3  }
0x12: {  	[tilespmem:s15+$0x0 ss:$0x81] =	vst.msk $0xffff, v1;
	s13 =	sor.u32 $0x400, s13;
	s12 =	sadd.s32 s16, s12  }
0x13: {  	[hbm4b:s12+s13] =	stream.strided.scatter [tilespmem:s14], [sflag:$0x2], $0x2000, s8, s13, $0x20;
	[tilespmem:$0x8080] =	vst v63  }
.LBB1_5:
0x14: {  	s14 =	sadd.s32 $0x1, s9  }
0x15: {  	s12 =	sadd.s32 $0x1000, s10;
	s16 =	smov.u32 s10;
	p2 =	sgt.s32 s14, $0x31  }
0x16: {  	s16 =	smov.u32 @p2 s12  }
0x17: {  	s14 =	simm.s32 @p2 $0x0;
	p2 =	sgt.s32 s16, $0x3FFF  }
0x18: {  	s16 =	smov.u32 @p2 s2;
	p2 =	sne.s32 s11, s7  }
.Ltmp1:
0x19: {  	p1 =	slt.u32 s11, $0x2;
	(pc) =	sbr.rel @!p2 .LBB1_6-.Ltmp1, $4  }
0x1a: {  	s15 =	simm.s32 @!p1 $0x2  }
0x1b: {  	s13 =	smov.u32 s10;
	p0 =	por !p0, !p0;
	_ =	swait.ge @!p1 [sflag:s15], $0x2000  }
0x1c: {  	s12 =	smov.u32 s9;
	[sflag:s15] =	ssyncset.done @!p1 $0x0;
	s9 =	smov.u32 s14  }
0x1d: {  	s11 =	sadd.s32 $0x1, s11;
	[sflag:s15] =	ssyncadd.s32 @!p1 $0xFFFFE000;
	s10 =	smov.u32 s16  }
.LBB1_1:
0x1e: {  	p1 =	sge.u32 s11, s5  }
0x1f: {  	s14 =	sand.u32 @!p1 $0x1FFFFFF, s9  }
0x20: {  	s15 =	smulhi.u32 @!p1 $0x4924925, s14;
	_ =	sdelay $0x1  }
0x21: {  	s15 =	smul.u32 @!p1 $0x38, s15  }
0x22: {  	s16 =	sxor.u32 @!p1 $0xFFFFFFFF, s11;
	s17 =	smul.u32 @!p1 $0x380, s10  }
0x23: {  	s31 =	sadd.s32 $0xFFFFFFFF, s11;
	s16 =	sshll.u32 @!p1 s16, $0xD;
	s14 =	ssub.s32 @!p1 s14, s15  }
0x24: {  	s15 =	sand.u32 @!p1 $0x2000, s16;
	s16 =	sadd.s32 @!p1 s6, s17;
	s14 =	sshll.u32 @!p1 s14, $0x4  }
0x25: {  	s17 =	simm.s32 @!p1 $0x1C00;
	s14 =	sadd.s32 @!p1 s14, s16;
	s16 =	simm.s32 @!p1 $0x40  }
0x26: {  	[tilespmem:s15], [sflag:$0x1] =	stream.strided.gather @!p1 [hbm4b:s14+s16], $0x2000, s17, s16, $0x38;
	[tilespmem:$0x8080] =	vst v63  }
0x27: {  	p1 =	sge.u32 s31, s5  }
.Ltmp2:
0x28: {  	_ = 	snop;
	(pc) =	sbr.rel @p1 .LBB1_5-.Ltmp2, $1  }
0x29: {  	_ =	sdelay $0x3  }
0x2a: {  	s14 =	simm.s32 $0x1  }
0x2b: {  	_ =	swait.ge [sflag:s4], $0x2000;
	s14 =	simm.s32 @!p0 $0x0  }
0x2c: {  	[sflag:s4] =	ssyncset.done $0x0;
	s15 =	sshll.u32 s14, $0xD  }
0x2d: {  	[sflag:s4] =	ssyncadd.s32 $0xFFFFE000;
	s18 =	sor.u32 $0x20, s15  }
0x2e: {  	s14 =	smul.u32 $0x8100, s14;
	v3 =	vld [tilespmem:s18+$0x10]  }
0x2f: {  	s30 =	sand.u32 $0x1, s11;
	v2 =	vld [tilespmem:s18+$0xFFFFFFF0]  }
0x30: {  	s15 =	smul.u32 $0x8100, s30;
	s14 =	sshrl.u32 s14, $0x2;
	v0 =	vld [tilespmem:s18+$0x0]  }
0x31: {  	v1 =	vld [tilespmem:s18+$0xFFFFFFE0];
	s16 =	sor.u32 $0x4000, s14  }
0x32: {  	s31 =	sshrl.u32 s15, $0x2;
	s15 =	sadd.s32 $0x0, s16  }
0x33: {  	s17 =	simm.s32 $0x4;
	s18 =	sadd.s32 $0x40, s18;
	s14 =	sor.u32 $0x4000, s31;
	[tilespmem:s15+$0x1830 ss:$0x81] =	vst.msk $0xffff, v3  }
.LBB1_3:
0x34: {  	v3 =	vld [tilespmem:s18+$0x10];
	p1 =	sne.s32 s17, $0x1FC;
	[tilespmem:s15+$0x810 ss:$0x81] =	vst.msk $0xffff, v2;
	s19 =	smov.u32 s17;
	s17 =	sadd.s32 $0x4, s17  }
.Ltmp3:
0x35: {  	v2 =	vld [tilespmem:s18+$0xFFFFFFF0];
	[tilespmem:s15+$0x1020 ss:$0x81] =	vst.msk $0xffff, v0;
	(pc) =	sbr.rel @p1 .LBB1_3-.Ltmp3, $4  }
0x36: {  	v0 =	vld [tilespmem:s18+$0x0];
	[tilespmem:s15+$0x0 ss:$0x81] =	vst.msk $0xffff, v1  }
0x37: {  	s15 =	sshra.s32 s19, $0x2;
	v1 =	vld [tilespmem:s18+$0xFFFFFFE0]  }
0x38: {  	s15 =	sadd.s32 s15, s16  }
0x39: {  	s18 =	sadd.s32 $0x40, s18;
	[tilespmem:s15+$0x1830 ss:$0x81] =	vst.msk $0xffff, v3  }
.Ltmp4:
0x3a: {  	_ = 	snop;
	(pc) =	sbr.rel .LBB1_4-.Ltmp4, $1  }
0x3b: {  	_ =	sdelay $0x3  }
.LBB1_6:
0x3c: {  	_ =	sfence.sel $0x180000  }
0x3d: {  	s2 =	simm.s32 $0x1;
	[bflag:$0x0] =	sbarrier.arrive $0xFFFF  }
0x3e: {  	s31 =	simm.s32 $0x2;
	[sflag:s2] =	ssyncpa.u1 $0x1  }
0x3f: {  	[sflag:s31] =	ssyncpa.u1 $0x1  }
0x40: {  	p0 =	sne.s32 s0, $0x0;
	_ =	strace $0x9000004A  }
0x41: {  	s0 =	sadd.s32 @!p0 $0x100000, s1;
	[bflag:$0x2] =	sbarrier.arrive $0xFFFF  }
0x42: {  	[sflag:s0] =	ssyncadd.tile.s32 @!p0 $0x1;
	_ =	shalt  }
.Lfunc_end1:
_tile_overlayer_lowered:
.L_overlay_start_2:
0x43: {  	(tag) =	ssettag $0x2  }
0x44: {  	s0 =	rddreg [dreg:$0x0];
	s2 =	stileid.u32  }
0x45: {  	s1 =	rddreg [dreg:$0x1];
	p0 =	sne.s32 s2, $0x0  }
0x46: {  	s3 =	rddreg [dreg:$0x2];
	[bflag:$0x3] =	sbarrier.arrive $0xFFFF;
	s2 =	simm.s32 @!p0 $0x1C01  }
0x47: {  	[timem:s3], [sflag:s2] =	dma.local @!p0 [hbm:s0], s1  }
0x48: {  	s0 =	simm.s32 @!p0 $0x1  }
0x49: {  	_ =	swait.ge @!p0 [sflag:s0], s1  }
0x4a: {  	s1 =	ssub.s32 @!p0 $0x0, s1;
	[sflag:s0] =	ssyncset.done @!p0 $0x0  }
0x4b: {  	[sflag:s0] =	ssyncadd.s32 @!p0 s1  }
0x4c: {  	[bflag:$0x3] =	sbarrier.arrive $0xFFFF  }
0x4d: {  	_ =	shalt  }

</sc_bundles>
